<compile_context>
chip_gen: v7x
topology: tpu7x:2x2x1
jax: 0.10.2.dev20260603
libtpu: 0.0.44.dev20260713+nightly
codegen_flags: <defaults>
</compile_context>

<pallas_src>
import functools

import jax
import jax.numpy as jnp
from jax import lax
from jax.experimental import pallas as pl
from jax.experimental.pallas import tpu as pltpu
from jax.experimental.pallas import tpu_sc as plsc

N = 10000
E = 320000
F = 128
H = 128
B = 128

NC = 2
NS = 16
NW = NC * NS
CHUNK = 64

N_PAD = 10176
W = F + 16
NBUF = 2
T_EDGE = 158
E_PAD = NW * CHUNK * T_EDGE

ROWS_PER_TILE = N_PAD // NS


def _sc_aggregate(table, src, dst, zeros):
    mesh = plsc.VectorSubcoreMesh(core_axis_name="c", subcore_axis_name="s")

    @functools.partial(
        pl.kernel,
        mesh=mesh,
        out_type=jax.ShapeDtypeStruct((NC, N_PAD, W), jnp.float32),
        scratch_types=[
            pltpu.VMEM_SHARED((N_PAD, W), jnp.float32),
            pltpu.VMEM((T_EDGE + NBUF, CHUNK), jnp.int32),
            pltpu.VMEM((T_EDGE, CHUNK), jnp.int32),
            [pltpu.VMEM((CHUNK, W), jnp.float32) for _ in range(NBUF)],
            [pltpu.SemaphoreType.DMA for _ in range(NBUF)],
        ],
        compiler_params=pltpu.CompilerParams(use_tc_tiling_on_sc=False),
    )
    def k(table_hbm, src_hbm, dst_hbm, zeros_hbm, out_hbm,
          acc_sh, src_v, dst_v, rows_v, sems):
        cid = lax.axis_index("c")
        sid = lax.axis_index("s")
        wid = sid * NC + cid

        pltpu.sync_copy(src_hbm.at[wid], src_v)
        pltpu.sync_copy(dst_hbm.at[wid], dst_v)

        pltpu.sync_copy(zeros_hbm.at[pl.ds(sid * ROWS_PER_TILE, ROWS_PER_TILE)],
                        acc_sh.at[pl.ds(sid * ROWS_PER_TILE, ROWS_PER_TILE)])

        for b in range(NBUF):
            pltpu.async_copy(table_hbm.at[src_v.at[b]], rows_v[b], sems[b])

        plsc.subcore_barrier()

        def body(g, _):
            for b in range(NBUF):
                t = g * NBUF + b
                pltpu.make_async_copy(table_hbm.at[src_v.at[t]],
                                      rows_v[b], sems[b]).wait()
                pltpu.sync_copy(rows_v[b], acc_sh.at[dst_v.at[t]], add=True)
                pltpu.async_copy(table_hbm.at[src_v.at[t + NBUF]],
                                 rows_v[b], sems[b])
            return ()

        lax.fori_loop(0, T_EDGE // NBUF, body, ())

        for b in range(NBUF):
            pltpu.make_async_copy(table_hbm.at[src_v.at[0]],
                                  rows_v[b], sems[b]).wait()
        plsc.subcore_barrier()

        pltpu.sync_copy(acc_sh.at[pl.ds(sid * ROWS_PER_TILE, ROWS_PER_TILE)],
                        out_hbm.at[cid, pl.ds(sid * ROWS_PER_TILE,
                                              ROWS_PER_TILE)])

    return k(table, src, dst, zeros)


BLK = 1272
GRID = N_PAD // BLK


def _tc_layer1(agg_parts, x, W1l, b1, W1r):

    def body(agg_ref, x_ref, wl_ref, b_ref, wr_ref, out_ref):
        a = agg_ref[0] + agg_ref[1]
        deg = jnp.clip(a[:, F:F + 1], 1.0, None)
        agg = a[:, :F] / deg
        h = jnp.dot(agg, wl_ref[...], preferred_element_type=jnp.float32)
        h = h + b_ref[...]
        h = h + jnp.dot(x_ref[...], wr_ref[...],
                        preferred_element_type=jnp.float32)
        h = jnp.maximum(h, 0.0)
        out_ref[:, :F] = h
        out_ref[:, F:] = (jax.lax.broadcasted_iota(
            jnp.int32, (BLK, W - F), 1) == 0).astype(jnp.float32)

    return pl.pallas_call(
        body,
        grid=(GRID,),
        in_specs=[
            pl.BlockSpec((NC, BLK, W), lambda i: (0, i, 0)),
            pl.BlockSpec((BLK, F), lambda i: (i, 0)),
            pl.BlockSpec((F, H), lambda i: (0, 0)),
            pl.BlockSpec((1, H), lambda i: (0, 0)),
            pl.BlockSpec((F, H), lambda i: (0, 0)),
        ],
        out_specs=pl.BlockSpec((BLK, W), lambda i: (i, 0)),
        out_shape=jax.ShapeDtypeStruct((N_PAD, W), jnp.float32),
    )(agg_parts, x, W1l, b1, W1r)


def _tc_layer2_pool(agg_parts, h1_aug, batch2d, W2l, b2, W2r):

    def body(agg_ref, h1_ref, batch_ref, wl_ref, b_ref, wr_ref, out_ref,
             sums_acc, cnts_acc):
        i = pl.program_id(0)

        a = agg_ref[0] + agg_ref[1]
        deg = jnp.clip(a[:, F:F + 1], 1.0, None)
        agg = a[:, :F] / deg
        h = jnp.dot(agg, wl_ref[...], preferred_element_type=jnp.float32)
        h = h + b_ref[...]
        h = h + jnp.dot(h1_ref[:, :F], wr_ref[...],
                        preferred_element_type=jnp.float32)

        onehot_t = (batch_ref[0] == jax.lax.broadcasted_iota(
            jnp.int32, (B, BLK), 0)).astype(jnp.float32)

        psum = jnp.dot(onehot_t, h, preferred_element_type=jnp.float32)
        pcnt = jnp.sum(onehot_t, axis=1, keepdims=True)

        @pl.when(i == 0)
        def _():
            sums_acc[...] = jnp.zeros_like(sums_acc)
            cnts_acc[...] = jnp.zeros_like(cnts_acc)

        sums_acc[...] += psum
        cnts_acc[...] += pcnt


        @pl.when(i == GRID - 1)
        def _():
            out_ref[...] = sums_acc[...] / jnp.clip(cnts_acc[...], 1.0, None)

    return pl.pallas_call(
        body,
        grid=(GRID,),
        in_specs=[
            pl.BlockSpec((NC, BLK, W), lambda i: (0, i, 0)),
            pl.BlockSpec((BLK, W), lambda i: (i, 0)),
            pl.BlockSpec((1, 1, BLK), lambda i: (i, 0, 0)),
            pl.BlockSpec((H, H), lambda i: (0, 0)),
            pl.BlockSpec((1, H), lambda i: (0, 0)),
            pl.BlockSpec((H, H), lambda i: (0, 0)),
        ],
        out_specs=pl.BlockSpec((B, H), lambda i: (0, 0)),
        out_shape=jax.ShapeDtypeStruct((B, H), jnp.float32),
        scratch_shapes=[
            pltpu.VMEM((B, H), jnp.float32),
            pltpu.VMEM((B, 1), jnp.float32),
        ],
    )(agg_parts, h1_aug, batch2d, W2l, b2, W2r)


def kernel(x, edge_index, batch, W1l, b1, W1r, W2l, b2, W2r):
    src = edge_index[0]
    dst = edge_index[1]
    pad_e = E_PAD - E
    src_p = jnp.concatenate([src, jnp.full((pad_e,), N, jnp.int32)])
    dst_p = jnp.concatenate([dst, jnp.full((pad_e,), N, jnp.int32)])
    src_p = src_p.reshape(NW, T_EDGE, CHUNK)
    src_p = jnp.concatenate(
        [src_p, jnp.full((NW, NBUF, CHUNK), N, jnp.int32)], axis=1)
    dst_p = dst_p.reshape(NW, T_EDGE, CHUNK)

    x_aug = jnp.zeros((N_PAD, W), jnp.float32)
    x_aug = x_aug.at[:N, :F].set(x)
    x_aug = x_aug.at[:N, F].set(1.0)

    x_pad = jnp.zeros((N_PAD, F), jnp.float32).at[:N].set(x)

    batch_p = jnp.full((N_PAD,), B, jnp.int32).at[:N].set(batch)
    batch_p = batch_p.reshape(GRID, 1, BLK)

    zeros = jnp.zeros((N_PAD, W), jnp.float32)
    b1r = b1.reshape(1, H)
    b2r = b2.reshape(1, H)

    agg1 = _sc_aggregate(x_aug, src_p, dst_p, zeros)
    h1_aug = _tc_layer1(agg1, x_pad, W1l, b1r, W1r)

    agg2 = _sc_aggregate(h1_aug, src_p, dst_p, zeros)
    return _tc_layer2_pool(agg2, h1_aug, batch_p, W2l, b2r, W2r)

# --- scband reference (transcript-rebuilt; emitter-appended) ---
"""Pipeline reference for scband-graph-encoder-sage-65773129171089 (READ-ONLY COPY).

The authoritative reference and input builder live on the scoring server;
editing this copy changes nothing except your own understanding.
"""

import jax, jax.numpy as jnp
import numpy as np

N = 10000
E = 320000
F = 128
H = 128
B = 128

def _glorot(key, shape):
    lim = np.sqrt(6.0 / (shape[0] + shape[1]))
    return jax.random.uniform(key, shape, jnp.float32, -lim, lim)

def setup_inputs(seed: int = 0):
    key = jax.random.key(seed)
    ks = jax.random.split(key, 10)
    x = jax.random.normal(ks[0], (N, F), jnp.float32)
    edge_index = jax.random.randint(ks[1], (2, E), 0, N, jnp.int32)
    batch = jnp.sort(jax.random.randint(ks[2], (N,), 0, B, jnp.int32))
    # SAGEConv layer 1: lin_l (aggregated neighbors, with bias) + lin_r (root, no bias)
    W1l = _glorot(ks[3], (F, H)); b1 = jnp.zeros((H,), jnp.float32); W1r = _glorot(ks[4], (F, H))
    # SAGEConv layer 2
    W2l = _glorot(ks[5], (H, H)); b2 = jnp.zeros((H,), jnp.float32); W2r = _glorot(ks[6], (H, H))
    return {"x": x, "edge_index": edge_index, "batch": batch,
            "W1l": W1l, "b1": b1, "W1r": W1r, "W2l": W2l, "b2": b2, "W2r": W2r}

def _sage_conv(h, src, dst, Wl, bl, Wr):
    msg = h[src]                                   # gather from source nodes
    agg = jnp.zeros((N, h.shape[1]), h.dtype).at[dst].add(msg)   # scatter-add to dst
    deg = jnp.zeros((N,), h.dtype).at[dst].add(1.0)
    agg = agg / jnp.clip(deg, 1.0)[:, None]        # mean aggregation
    return agg @ Wl + bl + h @ Wr

def reference(x, edge_index, batch, W1l, b1, W1r, W2l, b2, W2r):
    src, dst = edge_index[0], edge_index[1]
    h = _sage_conv(x, src, dst, W1l, b1, W1r)
    h = jax.nn.relu(h)
    h = _sage_conv(h, src, dst, W2l, b2, W2r)
    # global_mean_pool over graph ids in `batch`
    sums = jax.ops.segment_sum(h, batch, num_segments=B)
    cnts = jax.ops.segment_sum(jnp.ones((N,), h.dtype), batch, num_segments=B)
    return sums / jnp.clip(cnts, 1.0)[:, None]

if __name__ == "__main__":
    import jax
    _d = setup_inputs()
    print(jax.jit(kernel)(*tuple(_d.values())))

</pallas_src>

<mosaic_0001>
#map = affine_map<(d0, d1) -> (0, 0)>
#map1 = affine_map<(d0, d1) -> (0, 0, 0)>
module attributes {stable_mosaic.version = 14 : i64} {
  func.func @k(%arg0: i32, %arg1: i32, %arg2: memref<10176x144xf32, #tpu.memory_space<hbm>>, %arg3: memref<32x160x64xi32, #tpu.memory_space<hbm>>, %arg4: memref<32x158x64xi32, #tpu.memory_space<hbm>>, %arg5: memref<10176x144xf32, #tpu.memory_space<hbm>>, %arg6: memref<2x10176x144xf32, #tpu.memory_space<hbm>>, %arg7: memref<10176x144xf32, #tpu.memory_space<vmem_shared>>, %arg8: memref<160x64xi32, #tpu.memory_space<vmem>>, %arg9: memref<158x64xi32, #tpu.memory_space<vmem>>, %arg10: memref<64x144xf32, #tpu.memory_space<vmem>>, %arg11: memref<64x144xf32, #tpu.memory_space<vmem>>, %arg12: memref<!tpu.dma_semaphore, #tpu.memory_space<semaphore_mem>>, %arg13: memref<!tpu.dma_semaphore, #tpu.memory_space<semaphore_mem>>) attributes {dimension_semantics = [#tpu.dimension_semantics<core_parallel>, #tpu.dimension_semantics<subcore_parallel>], iteration_bounds = array<i64: 2, 16>, scalar_prefetch = 0 : i64, scratch_operands = 7 : i64, tpu.core_type = #tpu.core_type<sc_vector_subcore>, window_params = [{transform_indices = #map}, {transform_indices = #map1}, {transform_indices = #map1}, {transform_indices = #map}, {transform_indices = #map1}]} {
    %mul3A = arith.constant 2 : i32
    %mul3A_0 = arith.muli %arg1, %mul3A : i32
    %add3A = arith.addi %mul3A_0, %arg0 : i32
    "tpu.region"() ({
      %run_scoped3A = tpu.sem_alloc : memref<!tpu.dma_semaphore, #tpu.memory_space<semaphore_mem>>
      %dma_start3A_40 = arith.constant 0 : i32
      %dma_start3A_41 = arith.constant 0 : i32
      %dma_start3A_42 = tpu.memref_slice %arg3[%add3A, %dma_start3A_40, %dma_start3A_41] : memref<32x160x64xi32, #tpu.memory_space<hbm>> -> memref<1x160x64xi32, #tpu.memory_space<hbm>>
      %dma_start3A_43 = tpu.memref_squeeze %dma_start3A_42 : memref<1x160x64xi32, #tpu.memory_space<hbm>> -> memref<160x64xi32, #tpu.memory_space<hbm>>
      %dma_start3A_44 = arith.constant 0 : i32
      %dma_start3A_45 = arith.constant 0 : i32
      %dma_start3A_46 = tpu.memref_slice %arg3[%add3A, %dma_start3A_44, %dma_start3A_45] : memref<32x160x64xi32, #tpu.memory_space<hbm>> -> memref<1x160x64xi32, #tpu.memory_space<hbm>>
      %dma_start3A_47 = tpu.memref_squeeze %dma_start3A_46 : memref<1x160x64xi32, #tpu.memory_space<hbm>> -> memref<160x64xi32, #tpu.memory_space<hbm>>
      tpu.enqueue_dma source(%dma_start3A_47 : memref<160x64xi32, #tpu.memory_space<hbm>>) target(%arg8 : memref<160x64xi32, #tpu.memory_space<vmem>>) target_semaphore(%run_scoped3A : memref<!tpu.dma_semaphore, #tpu.memory_space<semaphore_mem>>)
      %dma_wait3A_48 = arith.constant 0 : i32
      %dma_wait3A_49 = arith.constant 0 : i32
      %dma_wait3A_50 = tpu.memref_slice %arg3[%add3A, %dma_wait3A_48, %dma_wait3A_49] : memref<32x160x64xi32, #tpu.memory_space<hbm>> -> memref<1x160x64xi32, #tpu.memory_space<hbm>>
      %dma_wait3A_51 = tpu.memref_squeeze %dma_wait3A_50 : memref<1x160x64xi32, #tpu.memory_space<hbm>> -> memref<160x64xi32, #tpu.memory_space<hbm>>
      %dma_wait3A_52 = arith.constant 0 : i32
      %dma_wait3A_53 = arith.constant 0 : i32
      %dma_wait3A_54 = tpu.memref_slice %arg3[%add3A, %dma_wait3A_52, %dma_wait3A_53] : memref<32x160x64xi32, #tpu.memory_space<hbm>> -> memref<1x160x64xi32, #tpu.memory_space<hbm>>
      %dma_wait3A_55 = tpu.memref_squeeze %dma_wait3A_54 : memref<1x160x64xi32, #tpu.memory_space<hbm>> -> memref<160x64xi32, #tpu.memory_space<hbm>>
      tpu.wait_dma2 semaphore(%run_scoped3A : memref<!tpu.dma_semaphore, #tpu.memory_space<semaphore_mem>>) src(%dma_wait3A_55 : memref<160x64xi32, #tpu.memory_space<hbm>>) dst(%arg8 : memref<160x64xi32, #tpu.memory_space<vmem>>)
      tpu.yield
    }) : () -> ()
    "tpu.region"() ({
      %run_scoped3A = tpu.sem_alloc : memref<!tpu.dma_semaphore, #tpu.memory_space<semaphore_mem>>
      %dma_start3A_40 = arith.constant 0 : i32
      %dma_start3A_41 = arith.constant 0 : i32
      %dma_start3A_42 = tpu.memref_slice %arg4[%add3A, %dma_start3A_40, %dma_start3A_41] : memref<32x158x64xi32, #tpu.memory_space<hbm>> -> memref<1x158x64xi32, #tpu.memory_space<hbm>>
      %dma_start3A_43 = tpu.memref_squeeze %dma_start3A_42 : memref<1x158x64xi32, #tpu.memory_space<hbm>> -> memref<158x64xi32, #tpu.memory_space<hbm>>
      %dma_start3A_44 = arith.constant 0 : i32
      %dma_start3A_45 = arith.constant 0 : i32
      %dma_start3A_46 = tpu.memref_slice %arg4[%add3A, %dma_start3A_44, %dma_start3A_45] : memref<32x158x64xi32, #tpu.memory_space<hbm>> -> memref<1x158x64xi32, #tpu.memory_space<hbm>>
      %dma_start3A_47 = tpu.memref_squeeze %dma_start3A_46 : memref<1x158x64xi32, #tpu.memory_space<hbm>> -> memref<158x64xi32, #tpu.memory_space<hbm>>
      tpu.enqueue_dma source(%dma_start3A_47 : memref<158x64xi32, #tpu.memory_space<hbm>>) target(%arg9 : memref<158x64xi32, #tpu.memory_space<vmem>>) target_semaphore(%run_scoped3A : memref<!tpu.dma_semaphore, #tpu.memory_space<semaphore_mem>>)
      %dma_wait3A_48 = arith.constant 0 : i32
      %dma_wait3A_49 = arith.constant 0 : i32
      %dma_wait3A_50 = tpu.memref_slice %arg4[%add3A, %dma_wait3A_48, %dma_wait3A_49] : memref<32x158x64xi32, #tpu.memory_space<hbm>> -> memref<1x158x64xi32, #tpu.memory_space<hbm>>
      %dma_wait3A_51 = tpu.memref_squeeze %dma_wait3A_50 : memref<1x158x64xi32, #tpu.memory_space<hbm>> -> memref<158x64xi32, #tpu.memory_space<hbm>>
      %dma_wait3A_52 = arith.constant 0 : i32
      %dma_wait3A_53 = arith.constant 0 : i32
      %dma_wait3A_54 = tpu.memref_slice %arg4[%add3A, %dma_wait3A_52, %dma_wait3A_53] : memref<32x158x64xi32, #tpu.memory_space<hbm>> -> memref<1x158x64xi32, #tpu.memory_space<hbm>>
      %dma_wait3A_55 = tpu.memref_squeeze %dma_wait3A_54 : memref<1x158x64xi32, #tpu.memory_space<hbm>> -> memref<158x64xi32, #tpu.memory_space<hbm>>
      tpu.wait_dma2 semaphore(%run_scoped3A : memref<!tpu.dma_semaphore, #tpu.memory_space<semaphore_mem>>) src(%dma_wait3A_55 : memref<158x64xi32, #tpu.memory_space<hbm>>) dst(%arg9 : memref<158x64xi32, #tpu.memory_space<vmem>>)
      tpu.yield
    }) : () -> ()
    %mul3A_1 = arith.constant 636 : i32
    %mul3A_2 = arith.muli %arg1, %mul3A_1 : i32
    %mul3A_3 = arith.constant 636 : i32
    %mul3A_4 = arith.muli %arg1, %mul3A_3 : i32
    "tpu.region"() ({
      %run_scoped3A = tpu.sem_alloc : memref<!tpu.dma_semaphore, #tpu.memory_space<semaphore_mem>>
      %dma_start3A_40 = arith.constant 0 : i32
      %dma_start3A_41 = tpu.memref_slice %arg7[%mul3A_4, %dma_start3A_40] : memref<10176x144xf32, #tpu.memory_space<vmem_shared>> -> memref<636x144xf32, #tpu.memory_space<vmem_shared>>
      %dma_start3A_42 = arith.constant 0 : i32
      %dma_start3A_43 = tpu.memref_slice %arg5[%mul3A_2, %dma_start3A_42] : memref<10176x144xf32, #tpu.memory_space<hbm>> -> memref<636x144xf32, #tpu.memory_space<hbm>>
      tpu.enqueue_dma source(%dma_start3A_43 : memref<636x144xf32, #tpu.memory_space<hbm>>) target(%dma_start3A_41 : memref<636x144xf32, #tpu.memory_space<vmem_shared>>) target_semaphore(%run_scoped3A : memref<!tpu.dma_semaphore, #tpu.memory_space<semaphore_mem>>)
      %dma_wait3A_44 = arith.constant 0 : i32
      %dma_wait3A_45 = tpu.memref_slice %arg7[%mul3A_4, %dma_wait3A_44] : memref<10176x144xf32, #tpu.memory_space<vmem_shared>> -> memref<636x144xf32, #tpu.memory_space<vmem_shared>>
      %dma_wait3A_46 = arith.constant 0 : i32
      %dma_wait3A_47 = tpu.memref_slice %arg5[%mul3A_2, %dma_wait3A_46] : memref<10176x144xf32, #tpu.memory_space<hbm>> -> memref<636x144xf32, #tpu.memory_space<hbm>>
      tpu.wait_dma2 semaphore(%run_scoped3A : memref<!tpu.dma_semaphore, #tpu.memory_space<semaphore_mem>>) src(%dma_wait3A_47 : memref<636x144xf32, #tpu.memory_space<hbm>>) dst(%dma_wait3A_45 : memref<636x144xf32, #tpu.memory_space<vmem_shared>>)
      tpu.yield
    }) : () -> ()
    %dma_start3A = arith.constant 0 : i32
    %dma_start3A_5 = arith.constant 0 : i32
    %dma_start3A_6 = tpu.memref_slice %arg8[%dma_start3A, %dma_start3A_5] : memref<160x64xi32, #tpu.memory_space<vmem>> -> memref<1x64xi32, #tpu.memory_space<vmem>>
    %dma_start3A_7 = tpu.memref_squeeze %dma_start3A_6 : memref<1x64xi32, #tpu.memory_space<vmem>> -> memref<64xi32, #tpu.memory_space<vmem>>
    %dma_start3A_8 = arith.constant 0 : i32
    %dma_start3A_9 = arith.constant 0 : i32
    %dma_start3A_10 = tpu.memref_slice %arg2[%dma_start3A_8, %dma_start3A_9] : memref<10176x144xf32, #tpu.memory_space<hbm>> -> memref<10176x144xf32, #tpu.memory_space<hbm>>
    tpu.enqueue_indirect_dma source(%dma_start3A_10 : memref<10176x144xf32, #tpu.memory_space<hbm>>) target(%arg10 : memref<64x144xf32, #tpu.memory_space<vmem>>) offsets(%dma_start3A_7 : memref<64xi32, #tpu.memory_space<vmem>>) semaphore(%arg12 : memref<!tpu.dma_semaphore, #tpu.memory_space<semaphore_mem>>)
    %dma_start3A_11 = arith.constant 1 : i32
    %dma_start3A_12 = arith.constant 0 : i32
    %dma_start3A_13 = tpu.memref_slice %arg8[%dma_start3A_11, %dma_start3A_12] : memref<160x64xi32, #tpu.memory_space<vmem>> -> memref<1x64xi32, #tpu.memory_space<vmem>>
    %dma_start3A_14 = tpu.memref_squeeze %dma_start3A_13 : memref<1x64xi32, #tpu.memory_space<vmem>> -> memref<64xi32, #tpu.memory_space<vmem>>
    %dma_start3A_15 = arith.constant 0 : i32
    %dma_start3A_16 = arith.constant 0 : i32
    %dma_start3A_17 = tpu.memref_slice %arg2[%dma_start3A_15, %dma_start3A_16] : memref<10176x144xf32, #tpu.memory_space<hbm>> -> memref<10176x144xf32, #tpu.memory_space<hbm>>
    tpu.enqueue_indirect_dma source(%dma_start3A_17 : memref<10176x144xf32, #tpu.memory_space<hbm>>) target(%arg11 : memref<64x144xf32, #tpu.memory_space<vmem>>) offsets(%dma_start3A_14 : memref<64xi32, #tpu.memory_space<vmem>>) semaphore(%arg13 : memref<!tpu.dma_semaphore, #tpu.memory_space<semaphore_mem>>)
    %barrier3A = arith.constant 0 : index
    tpu.barrier barrier_id(%barrier3A)
    %scan3A = arith.constant 0 : i32
    %scan3A_18 = arith.constant 79 : i32
    %scan3A_19 = arith.addi %scan3A, %scan3A_18 : i32
    %scan3A_20 = arith.constant 1 : i32
    scf.for %scan3A_40 = %scan3A to %scan3A_19 step %scan3A_20  : i32 {
      %mul3A_41 = arith.constant 2 : i32
      %mul3A_42 = arith.muli %scan3A_40, %mul3A_41 : i32
      %add3A_43 = arith.constant 0 : i32
      %add3A_44 = arith.addi %mul3A_42, %add3A_43 : i32
      %dma_wait3A_45 = arith.constant 0 : i32
      %dma_wait3A_46 = tpu.memref_slice %arg8[%add3A_44, %dma_wait3A_45] : memref<160x64xi32, #tpu.memory_space<vmem>> -> memref<1x64xi32, #tpu.memory_space<vmem>>
      %dma_wait3A_47 = tpu.memref_squeeze %dma_wait3A_46 : memref<1x64xi32, #tpu.memory_space<vmem>> -> memref<64xi32, #tpu.memory_space<vmem>>
      %dma_wait3A_48 = arith.constant 0 : i32
      %dma_wait3A_49 = arith.constant 0 : i32
      %dma_wait3A_50 = tpu.memref_slice %arg2[%dma_wait3A_48, %dma_wait3A_49] : memref<10176x144xf32, #tpu.memory_space<hbm>> -> memref<10176x144xf32, #tpu.memory_space<hbm>>
      tpu.wait_indirect_dma semaphore(%arg12 : memref<!tpu.dma_semaphore, #tpu.memory_space<semaphore_mem>>) src(%dma_wait3A_50 : memref<10176x144xf32, #tpu.memory_space<hbm>>) dst(%arg10 : memref<64x144xf32, #tpu.memory_space<vmem>>)
      "tpu.region"() ({
        %run_scoped3A = tpu.sem_alloc : memref<!tpu.dma_semaphore, #tpu.memory_space<semaphore_mem>>
        %dma_start3A_77 = arith.constant 0 : i32
        %dma_start3A_78 = tpu.memref_slice %arg9[%add3A_44, %dma_start3A_77] : memref<158x64xi32, #tpu.memory_space<vmem>> -> memref<1x64xi32, #tpu.memory_space<vmem>>
        %dma_start3A_79 = tpu.memref_squeeze %dma_start3A_78 : memref<1x64xi32, #tpu.memory_space<vmem>> -> memref<64xi32, #tpu.memory_space<vmem>>
        %dma_start3A_80 = arith.constant 0 : i32
        %dma_start3A_81 = arith.constant 0 : i32
        %dma_start3A_82 = tpu.memref_slice %arg7[%dma_start3A_80, %dma_start3A_81] : memref<10176x144xf32, #tpu.memory_space<vmem_shared>> -> memref<10176x144xf32, #tpu.memory_space<vmem_shared>>
        tpu.enqueue_indirect_dma source(%arg10 : memref<64x144xf32, #tpu.memory_space<vmem>>) target(%dma_start3A_82 : memref<10176x144xf32, #tpu.memory_space<vmem_shared>>) offsets(%dma_start3A_79 : memref<64xi32, #tpu.memory_space<vmem>>) semaphore(%run_scoped3A : memref<!tpu.dma_semaphore, #tpu.memory_space<semaphore_mem>>) {add = true}
        %dma_wait3A_83 = arith.constant 0 : i32
        %dma_wait3A_84 = tpu.memref_slice %arg9[%add3A_44, %dma_wait3A_83] : memref<158x64xi32, #tpu.memory_space<vmem>> -> memref<1x64xi32, #tpu.memory_space<vmem>>
        %dma_wait3A_85 = tpu.memref_squeeze %dma_wait3A_84 : memref<1x64xi32, #tpu.memory_space<vmem>> -> memref<64xi32, #tpu.memory_space<vmem>>
        %dma_wait3A_86 = arith.constant 0 : i32
        %dma_wait3A_87 = arith.constant 0 : i32
        %dma_wait3A_88 = tpu.memref_slice %arg7[%dma_wait3A_86, %dma_wait3A_87] : memref<10176x144xf32, #tpu.memory_space<vmem_shared>> -> memref<10176x144xf32, #tpu.memory_space<vmem_shared>>
        tpu.wait_indirect_dma semaphore(%run_scoped3A : memref<!tpu.dma_semaphore, #tpu.memory_space<semaphore_mem>>) src(%arg10 : memref<64x144xf32, #tpu.memory_space<vmem>>) dst(%dma_wait3A_88 : memref<10176x144xf32, #tpu.memory_space<vmem_shared>>)
        tpu.yield
      }) : () -> ()
      %add3A_51 = arith.constant 2 : i32
      %add3A_52 = arith.addi %add3A_44, %add3A_51 : i32
      %dma_start3A_53 = arith.constant 0 : i32
      %dma_start3A_54 = tpu.memref_slice %arg8[%add3A_52, %dma_start3A_53] : memref<160x64xi32, #tpu.memory_space<vmem>> -> memref<1x64xi32, #tpu.memory_space<vmem>>
      %dma_start3A_55 = tpu.memref_squeeze %dma_start3A_54 : memref<1x64xi32, #tpu.memory_space<vmem>> -> memref<64xi32, #tpu.memory_space<vmem>>
      %dma_start3A_56 = arith.constant 0 : i32
      %dma_start3A_57 = arith.constant 0 : i32
      %dma_start3A_58 = tpu.memref_slice %arg2[%dma_start3A_56, %dma_start3A_57] : memref<10176x144xf32, #tpu.memory_space<hbm>> -> memref<10176x144xf32, #tpu.memory_space<hbm>>
      tpu.enqueue_indirect_dma source(%dma_start3A_58 : memref<10176x144xf32, #tpu.memory_space<hbm>>) target(%arg10 : memref<64x144xf32, #tpu.memory_space<vmem>>) offsets(%dma_start3A_55 : memref<64xi32, #tpu.memory_space<vmem>>) semaphore(%arg12 : memref<!tpu.dma_semaphore, #tpu.memory_space<semaphore_mem>>)
      %mul3A_59 = arith.constant 2 : i32
      %mul3A_60 = arith.muli %scan3A_40, %mul3A_59 : i32
      %add3A_61 = arith.constant 1 : i32
      %add3A_62 = arith.addi %mul3A_60, %add3A_61 : i32
      %dma_wait3A_63 = arith.constant 0 : i32
      %dma_wait3A_64 = tpu.memref_slice %arg8[%add3A_62, %dma_wait3A_63] : memref<160x64xi32, #tpu.memory_space<vmem>> -> memref<1x64xi32, #tpu.memory_space<vmem>>
      %dma_wait3A_65 = tpu.memref_squeeze %dma_wait3A_64 : memref<1x64xi32, #tpu.memory_space<vmem>> -> memref<64xi32, #tpu.memory_space<vmem>>
      %dma_wait3A_66 = arith.constant 0 : i32
      %dma_wait3A_67 = arith.constant 0 : i32
      %dma_wait3A_68 = tpu.memref_slice %arg2[%dma_wait3A_66, %dma_wait3A_67] : memref<10176x144xf32, #tpu.memory_space<hbm>> -> memref<10176x144xf32, #tpu.memory_space<hbm>>
      tpu.wait_indirect_dma semaphore(%arg13 : memref<!tpu.dma_semaphore, #tpu.memory_space<semaphore_mem>>) src(%dma_wait3A_68 : memref<10176x144xf32, #tpu.memory_space<hbm>>) dst(%arg11 : memref<64x144xf32, #tpu.memory_space<vmem>>)
      "tpu.region"() ({
        %run_scoped3A = tpu.sem_alloc : memref<!tpu.dma_semaphore, #tpu.memory_space<semaphore_mem>>
        %dma_start3A_77 = arith.constant 0 : i32
        %dma_start3A_78 = tpu.memref_slice %arg9[%add3A_62, %dma_start3A_77] : memref<158x64xi32, #tpu.memory_space<vmem>> -> memref<1x64xi32, #tpu.memory_space<vmem>>
        %dma_start3A_79 = tpu.memref_squeeze %dma_start3A_78 : memref<1x64xi32, #tpu.memory_space<vmem>> -> memref<64xi32, #tpu.memory_space<vmem>>
        %dma_start3A_80 = arith.constant 0 : i32
        %dma_start3A_81 = arith.constant 0 : i32
        %dma_start3A_82 = tpu.memref_slice %arg7[%dma_start3A_80, %dma_start3A_81] : memref<10176x144xf32, #tpu.memory_space<vmem_shared>> -> memref<10176x144xf32, #tpu.memory_space<vmem_shared>>
        tpu.enqueue_indirect_dma source(%arg11 : memref<64x144xf32, #tpu.memory_space<vmem>>) target(%dma_start3A_82 : memref<10176x144xf32, #tpu.memory_space<vmem_shared>>) offsets(%dma_start3A_79 : memref<64xi32, #tpu.memory_space<vmem>>) semaphore(%run_scoped3A : memref<!tpu.dma_semaphore, #tpu.memory_space<semaphore_mem>>) {add = true}
        %dma_wait3A_83 = arith.constant 0 : i32
        %dma_wait3A_84 = tpu.memref_slice %arg9[%add3A_62, %dma_wait3A_83] : memref<158x64xi32, #tpu.memory_space<vmem>> -> memref<1x64xi32, #tpu.memory_space<vmem>>
        %dma_wait3A_85 = tpu.memref_squeeze %dma_wait3A_84 : memref<1x64xi32, #tpu.memory_space<vmem>> -> memref<64xi32, #tpu.memory_space<vmem>>
        %dma_wait3A_86 = arith.constant 0 : i32
        %dma_wait3A_87 = arith.constant 0 : i32
        %dma_wait3A_88 = tpu.memref_slice %arg7[%dma_wait3A_86, %dma_wait3A_87] : memref<10176x144xf32, #tpu.memory_space<vmem_shared>> -> memref<10176x144xf32, #tpu.memory_space<vmem_shared>>
        tpu.wait_indirect_dma semaphore(%run_scoped3A : memref<!tpu.dma_semaphore, #tpu.memory_space<semaphore_mem>>) src(%arg11 : memref<64x144xf32, #tpu.memory_space<vmem>>) dst(%dma_wait3A_88 : memref<10176x144xf32, #tpu.memory_space<vmem_shared>>)
        tpu.yield
      }) : () -> ()
      %add3A_69 = arith.constant 2 : i32
      %add3A_70 = arith.addi %add3A_62, %add3A_69 : i32
      %dma_start3A_71 = arith.constant 0 : i32
      %dma_start3A_72 = tpu.memref_slice %arg8[%add3A_70, %dma_start3A_71] : memref<160x64xi32, #tpu.memory_space<vmem>> -> memref<1x64xi32, #tpu.memory_space<vmem>>
      %dma_start3A_73 = tpu.memref_squeeze %dma_start3A_72 : memref<1x64xi32, #tpu.memory_space<vmem>> -> memref<64xi32, #tpu.memory_space<vmem>>
      %dma_start3A_74 = arith.constant 0 : i32
      %dma_start3A_75 = arith.constant 0 : i32
      %dma_start3A_76 = tpu.memref_slice %arg2[%dma_start3A_74, %dma_start3A_75] : memref<10176x144xf32, #tpu.memory_space<hbm>> -> memref<10176x144xf32, #tpu.memory_space<hbm>>
      tpu.enqueue_indirect_dma source(%dma_start3A_76 : memref<10176x144xf32, #tpu.memory_space<hbm>>) target(%arg11 : memref<64x144xf32, #tpu.memory_space<vmem>>) offsets(%dma_start3A_73 : memref<64xi32, #tpu.memory_space<vmem>>) semaphore(%arg13 : memref<!tpu.dma_semaphore, #tpu.memory_space<semaphore_mem>>)
    }
    %scan3A_21 = arith.constant 79 : i32
    %dma_wait3A = arith.constant 0 : i32
    %dma_wait3A_22 = arith.constant 0 : i32
    %dma_wait3A_23 = tpu.memref_slice %arg8[%dma_wait3A, %dma_wait3A_22] : memref<160x64xi32, #tpu.memory_space<vmem>> -> memref<1x64xi32, #tpu.memory_space<vmem>>
    %dma_wait3A_24 = tpu.memref_squeeze %dma_wait3A_23 : memref<1x64xi32, #tpu.memory_space<vmem>> -> memref<64xi32, #tpu.memory_space<vmem>>
    %dma_wait3A_25 = arith.constant 0 : i32
    %dma_wait3A_26 = arith.constant 0 : i32
    %dma_wait3A_27 = tpu.memref_slice %arg2[%dma_wait3A_25, %dma_wait3A_26] : memref<10176x144xf32, #tpu.memory_space<hbm>> -> memref<10176x144xf32, #tpu.memory_space<hbm>>
    tpu.wait_indirect_dma semaphore(%arg12 : memref<!tpu.dma_semaphore, #tpu.memory_space<semaphore_mem>>) src(%dma_wait3A_27 : memref<10176x144xf32, #tpu.memory_space<hbm>>) dst(%arg10 : memref<64x144xf32, #tpu.memory_space<vmem>>)
    %dma_wait3A_28 = arith.constant 0 : i32
    %dma_wait3A_29 = arith.constant 0 : i32
    %dma_wait3A_30 = tpu.memref_slice %arg8[%dma_wait3A_28, %dma_wait3A_29] : memref<160x64xi32, #tpu.memory_space<vmem>> -> memref<1x64xi32, #tpu.memory_space<vmem>>
    %dma_wait3A_31 = tpu.memref_squeeze %dma_wait3A_30 : memref<1x64xi32, #tpu.memory_space<vmem>> -> memref<64xi32, #tpu.memory_space<vmem>>
    %dma_wait3A_32 = arith.constant 0 : i32
    %dma_wait3A_33 = arith.constant 0 : i32
    %dma_wait3A_34 = tpu.memref_slice %arg2[%dma_wait3A_32, %dma_wait3A_33] : memref<10176x144xf32, #tpu.memory_space<hbm>> -> memref<10176x144xf32, #tpu.memory_space<hbm>>
    tpu.wait_indirect_dma semaphore(%arg13 : memref<!tpu.dma_semaphore, #tpu.memory_space<semaphore_mem>>) src(%dma_wait3A_34 : memref<10176x144xf32, #tpu.memory_space<hbm>>) dst(%arg11 : memref<64x144xf32, #tpu.memory_space<vmem>>)
    %barrier3A_35 = arith.constant 0 : index
    tpu.barrier barrier_id(%barrier3A_35)
    %mul3A_36 = arith.constant 636 : i32
    %mul3A_37 = arith.muli %arg1, %mul3A_36 : i32
    %mul3A_38 = arith.constant 636 : i32
    %mul3A_39 = arith.muli %arg1, %mul3A_38 : i32
    "tpu.region"() ({
      %run_scoped3A = tpu.sem_alloc : memref<!tpu.dma_semaphore, #tpu.memory_space<semaphore_mem>>
      %dma_start3A_40 = arith.constant 0 : i32
      %dma_start3A_41 = tpu.memref_slice %arg6[%arg0, %mul3A_39, %dma_start3A_40] : memref<2x10176x144xf32, #tpu.memory_space<hbm>> -> memref<1x636x144xf32, #tpu.memory_space<hbm>>
      %dma_start3A_42 = tpu.memref_squeeze %dma_start3A_41 : memref<1x636x144xf32, #tpu.memory_space<hbm>> -> memref<636x144xf32, #tpu.memory_space<hbm>>
      %dma_start3A_43 = arith.constant 0 : i32
      %dma_start3A_44 = tpu.memref_slice %arg7[%mul3A_37, %dma_start3A_43] : memref<10176x144xf32, #tpu.memory_space<vmem_shared>> -> memref<636x144xf32, #tpu.memory_space<vmem_shared>>
      tpu.enqueue_dma source(%dma_start3A_44 : memref<636x144xf32, #tpu.memory_space<vmem_shared>>) target(%dma_start3A_42 : memref<636x144xf32, #tpu.memory_space<hbm>>) target_semaphore(%run_scoped3A : memref<!tpu.dma_semaphore, #tpu.memory_space<semaphore_mem>>)
      %dma_wait3A_45 = arith.constant 0 : i32
      %dma_wait3A_46 = tpu.memref_slice %arg6[%arg0, %mul3A_39, %dma_wait3A_45] : memref<2x10176x144xf32, #tpu.memory_space<hbm>> -> memref<1x636x144xf32, #tpu.memory_space<hbm>>
      %dma_wait3A_47 = tpu.memref_squeeze %dma_wait3A_46 : memref<1x636x144xf32, #tpu.memory_space<hbm>> -> memref<636x144xf32, #tpu.memory_space<hbm>>
      %dma_wait3A_48 = arith.constant 0 : i32
      %dma_wait3A_49 = tpu.memref_slice %arg7[%mul3A_37, %dma_wait3A_48] : memref<10176x144xf32, #tpu.memory_space<vmem_shared>> -> memref<636x144xf32, #tpu.memory_space<vmem_shared>>
      tpu.wait_dma2 semaphore(%run_scoped3A : memref<!tpu.dma_semaphore, #tpu.memory_space<semaphore_mem>>) src(%dma_wait3A_49 : memref<636x144xf32, #tpu.memory_space<vmem_shared>>) dst(%dma_wait3A_47 : memref<636x144xf32, #tpu.memory_space<hbm>>)
      tpu.yield
    }) : () -> ()
    return
  }
}

#map = affine_map<(d0, d1) -> (0, 0)>
#map1 = affine_map<(d0, d1) -> (0, 0, 0)>
module attributes {stable_mosaic.version = 14 : i64} {
  func.func @k(%arg0: i32, %arg1: i32, %arg2: memref<10176x144xf32, #tpu.memory_space<hbm>>, %arg3: memref<32x160x64xi32, #tpu.memory_space<hbm>>, %arg4: memref<32x158x64xi32, #tpu.memory_space<hbm>>, %arg5: memref<10176x144xf32, #tpu.memory_space<hbm>>, %arg6: memref<2x10176x144xf32, #tpu.memory_space<hbm>>, %arg7: memref<10176x144xf32, #tpu.memory_space<vmem_shared>>, %arg8: memref<160x64xi32, #tpu.memory_space<vmem>>, %arg9: memref<158x64xi32, #tpu.memory_space<vmem>>, %arg10: memref<64x144xf32, #tpu.memory_space<vmem>>, %arg11: memref<64x144xf32, #tpu.memory_space<vmem>>, %arg12: memref<!tpu.dma_semaphore, #tpu.memory_space<semaphore_mem>>, %arg13: memref<!tpu.dma_semaphore, #tpu.memory_space<semaphore_mem>>) attributes {dimension_semantics = [#tpu.dimension_semantics<core_parallel>, #tpu.dimension_semantics<subcore_parallel>], iteration_bounds = array<i64: 2, 16>, scalar_prefetch = 0 : i64, scratch_operands = 7 : i64, tpu.core_type = #tpu.core_type<sc_vector_subcore>, window_params = [{transform_indices = #map}, {transform_indices = #map1}, {transform_indices = #map1}, {transform_indices = #map}, {transform_indices = #map1}]} {
    %mul3A = arith.constant 2 : i32
    %mul3A_0 = arith.muli %arg1, %mul3A : i32
    %add3A = arith.addi %mul3A_0, %arg0 : i32
    "tpu.region"() ({
      %run_scoped3A = tpu.sem_alloc : memref<!tpu.dma_semaphore, #tpu.memory_space<semaphore_mem>>
      %dma_start3A_40 = arith.constant 0 : i32
      %dma_start3A_41 = arith.constant 0 : i32
      %dma_start3A_42 = tpu.memref_slice %arg3[%add3A, %dma_start3A_40, %dma_start3A_41] : memref<32x160x64xi32, #tpu.memory_space<hbm>> -> memref<1x160x64xi32, #tpu.memory_space<hbm>>
      %dma_start3A_43 = tpu.memref_squeeze %dma_start3A_42 : memref<1x160x64xi32, #tpu.memory_space<hbm>> -> memref<160x64xi32, #tpu.memory_space<hbm>>
      %dma_start3A_44 = arith.constant 0 : i32
      %dma_start3A_45 = arith.constant 0 : i32
      %dma_start3A_46 = tpu.memref_slice %arg3[%add3A, %dma_start3A_44, %dma_start3A_45] : memref<32x160x64xi32, #tpu.memory_space<hbm>> -> memref<1x160x64xi32, #tpu.memory_space<hbm>>
      %dma_start3A_47 = tpu.memref_squeeze %dma_start3A_46 : memref<1x160x64xi32, #tpu.memory_space<hbm>> -> memref<160x64xi32, #tpu.memory_space<hbm>>
      tpu.enqueue_dma source(%dma_start3A_47 : memref<160x64xi32, #tpu.memory_space<hbm>>) target(%arg8 : memref<160x64xi32, #tpu.memory_space<vmem>>) target_semaphore(%run_scoped3A : memref<!tpu.dma_semaphore, #tpu.memory_space<semaphore_mem>>)
      %dma_wait3A_48 = arith.constant 0 : i32
      %dma_wait3A_49 = arith.constant 0 : i32
      %dma_wait3A_50 = tpu.memref_slice %arg3[%add3A, %dma_wait3A_48, %dma_wait3A_49] : memref<32x160x64xi32, #tpu.memory_space<hbm>> -> memref<1x160x64xi32, #tpu.memory_space<hbm>>
      %dma_wait3A_51 = tpu.memref_squeeze %dma_wait3A_50 : memref<1x160x64xi32, #tpu.memory_space<hbm>> -> memref<160x64xi32, #tpu.memory_space<hbm>>
      %dma_wait3A_52 = arith.constant 0 : i32
      %dma_wait3A_53 = arith.constant 0 : i32
      %dma_wait3A_54 = tpu.memref_slice %arg3[%add3A, %dma_wait3A_52, %dma_wait3A_53] : memref<32x160x64xi32, #tpu.memory_space<hbm>> -> memref<1x160x64xi32, #tpu.memory_space<hbm>>
      %dma_wait3A_55 = tpu.memref_squeeze %dma_wait3A_54 : memref<1x160x64xi32, #tpu.memory_space<hbm>> -> memref<160x64xi32, #tpu.memory_space<hbm>>
      tpu.wait_dma2 semaphore(%run_scoped3A : memref<!tpu.dma_semaphore, #tpu.memory_space<semaphore_mem>>) src(%dma_wait3A_55 : memref<160x64xi32, #tpu.memory_space<hbm>>) dst(%arg8 : memref<160x64xi32, #tpu.memory_space<vmem>>)
      tpu.yield
    }) : () -> ()
    "tpu.region"() ({
      %run_scoped3A = tpu.sem_alloc : memref<!tpu.dma_semaphore, #tpu.memory_space<semaphore_mem>>
      %dma_start3A_40 = arith.constant 0 : i32
      %dma_start3A_41 = arith.constant 0 : i32
      %dma_start3A_42 = tpu.memref_slice %arg4[%add3A, %dma_start3A_40, %dma_start3A_41] : memref<32x158x64xi32, #tpu.memory_space<hbm>> -> memref<1x158x64xi32, #tpu.memory_space<hbm>>
      %dma_start3A_43 = tpu.memref_squeeze %dma_start3A_42 : memref<1x158x64xi32, #tpu.memory_space<hbm>> -> memref<158x64xi32, #tpu.memory_space<hbm>>
      %dma_start3A_44 = arith.constant 0 : i32
      %dma_start3A_45 = arith.constant 0 : i32
      %dma_start3A_46 = tpu.memref_slice %arg4[%add3A, %dma_start3A_44, %dma_start3A_45] : memref<32x158x64xi32, #tpu.memory_space<hbm>> -> memref<1x158x64xi32, #tpu.memory_space<hbm>>
      %dma_start3A_47 = tpu.memref_squeeze %dma_start3A_46 : memref<1x158x64xi32, #tpu.memory_space<hbm>> -> memref<158x64xi32, #tpu.memory_space<hbm>>
      tpu.enqueue_dma source(%dma_start3A_47 : memref<158x64xi32, #tpu.memory_space<hbm>>) target(%arg9 : memref<158x64xi32, #tpu.memory_space<vmem>>) target_semaphore(%run_scoped3A : memref<!tpu.dma_semaphore, #tpu.memory_space<semaphore_mem>>)
      %dma_wait3A_48 = arith.constant 0 : i32
      %dma_wait3A_49 = arith.constant 0 : i32
      %dma_wait3A_50 = tpu.memref_slice %arg4[%add3A, %dma_wait3A_48, %dma_wait3A_49] : memref<32x158x64xi32, #tpu.memory_space<hbm>> -> memref<1x158x64xi32, #tpu.memory_space<hbm>>
      %dma_wait3A_51 = tpu.memref_squeeze %dma_wait3A_50 : memref<1x158x64xi32, #tpu.memory_space<hbm>> -> memref<158x64xi32, #tpu.memory_space<hbm>>
      %dma_wait3A_52 = arith.constant 0 : i32
      %dma_wait3A_53 = arith.constant 0 : i32
      %dma_wait3A_54 = tpu.memref_slice %arg4[%add3A, %dma_wait3A_52, %dma_wait3A_53] : memref<32x158x64xi32, #tpu.memory_space<hbm>> -> memref<1x158x64xi32, #tpu.memory_space<hbm>>
      %dma_wait3A_55 = tpu.memref_squeeze %dma_wait3A_54 : memref<1x158x64xi32, #tpu.memory_space<hbm>> -> memref<158x64xi32, #tpu.memory_space<hbm>>
      tpu.wait_dma2 semaphore(%run_scoped3A : memref<!tpu.dma_semaphore, #tpu.memory_space<semaphore_mem>>) src(%dma_wait3A_55 : memref<158x64xi32, #tpu.memory_space<hbm>>) dst(%arg9 : memref<158x64xi32, #tpu.memory_space<vmem>>)
      tpu.yield
    }) : () -> ()
    %mul3A_1 = arith.constant 636 : i32
    %mul3A_2 = arith.muli %arg1, %mul3A_1 : i32
    %mul3A_3 = arith.constant 636 : i32
    %mul3A_4 = arith.muli %arg1, %mul3A_3 : i32
    "tpu.region"() ({
      %run_scoped3A = tpu.sem_alloc : memref<!tpu.dma_semaphore, #tpu.memory_space<semaphore_mem>>
      %dma_start3A_40 = arith.constant 0 : i32
      %dma_start3A_41 = tpu.memref_slice %arg7[%mul3A_4, %dma_start3A_40] : memref<10176x144xf32, #tpu.memory_space<vmem_shared>> -> memref<636x144xf32, #tpu.memory_space<vmem_shared>>
      %dma_start3A_42 = arith.constant 0 : i32
      %dma_start3A_43 = tpu.memref_slice %arg5[%mul3A_2, %dma_start3A_42] : memref<10176x144xf32, #tpu.memory_space<hbm>> -> memref<636x144xf32, #tpu.memory_space<hbm>>
      tpu.enqueue_dma source(%dma_start3A_43 : memref<636x144xf32, #tpu.memory_space<hbm>>) target(%dma_start3A_41 : memref<636x144xf32, #tpu.memory_space<vmem_shared>>) target_semaphore(%run_scoped3A : memref<!tpu.dma_semaphore, #tpu.memory_space<semaphore_mem>>)
      %dma_wait3A_44 = arith.constant 0 : i32
      %dma_wait3A_45 = tpu.memref_slice %arg7[%mul3A_4, %dma_wait3A_44] : memref<10176x144xf32, #tpu.memory_space<vmem_shared>> -> memref<636x144xf32, #tpu.memory_space<vmem_shared>>
      %dma_wait3A_46 = arith.constant 0 : i32
      %dma_wait3A_47 = tpu.memref_slice %arg5[%mul3A_2, %dma_wait3A_46] : memref<10176x144xf32, #tpu.memory_space<hbm>> -> memref<636x144xf32, #tpu.memory_space<hbm>>
      tpu.wait_dma2 semaphore(%run_scoped3A : memref<!tpu.dma_semaphore, #tpu.memory_space<semaphore_mem>>) src(%dma_wait3A_47 : memref<636x144xf32, #tpu.memory_space<hbm>>) dst(%dma_wait3A_45 : memref<636x144xf32, #tpu.memory_space<vmem_shared>>)
      tpu.yield
    }) : () -> ()
    %dma_start3A = arith.constant 0 : i32
    %dma_start3A_5 = arith.constant 0 : i32
    %dma_start3A_6 = tpu.memref_slice %arg8[%dma_start3A, %dma_start3A_5] : memref<160x64xi32, #tpu.memory_space<vmem>> -> memref<1x64xi32, #tpu.memory_space<vmem>>
    %dma_start3A_7 = tpu.memref_squeeze %dma_start3A_6 : memref<1x64xi32, #tpu.memory_space<vmem>> -> memref<64xi32, #tpu.memory_space<vmem>>
    %dma_start3A_8 = arith.constant 0 : i32
    %dma_start3A_9 = arith.constant 0 : i32
    %dma_start3A_10 = tpu.memref_slice %arg2[%dma_start3A_8, %dma_start3A_9] : memref<10176x144xf32, #tpu.memory_space<hbm>> -> memref<10176x144xf32, #tpu.memory_space<hbm>>
    tpu.enqueue_indirect_dma source(%dma_start3A_10 : memref<10176x144xf32, #tpu.memory_space<hbm>>) target(%arg10 : memref<64x144xf32, #tpu.memory_space<vmem>>) offsets(%dma_start3A_7 : memref<64xi32, #tpu.memory_space<vmem>>) semaphore(%arg12 : memref<!tpu.dma_semaphore, #tpu.memory_space<semaphore_mem>>)
    %dma_start3A_11 = arith.constant 1 : i32
    %dma_start3A_12 = arith.constant 0 : i32
    %dma_start3A_13 = tpu.memref_slice %arg8[%dma_start3A_11, %dma_start3A_12] : memref<160x64xi32, #tpu.memory_space<vmem>> -> memref<1x64xi32, #tpu.memory_space<vmem>>
    %dma_start3A_14 = tpu.memref_squeeze %dma_start3A_13 : memref<1x64xi32, #tpu.memory_space<vmem>> -> memref<64xi32, #tpu.memory_space<vmem>>
    %dma_start3A_15 = arith.constant 0 : i32
    %dma_start3A_16 = arith.constant 0 : i32
    %dma_start3A_17 = tpu.memref_slice %arg2[%dma_start3A_15, %dma_start3A_16] : memref<10176x144xf32, #tpu.memory_space<hbm>> -> memref<10176x144xf32, #tpu.memory_space<hbm>>
    tpu.enqueue_indirect_dma source(%dma_start3A_17 : memref<10176x144xf32, #tpu.memory_space<hbm>>) target(%arg11 : memref<64x144xf32, #tpu.memory_space<vmem>>) offsets(%dma_start3A_14 : memref<64xi32, #tpu.memory_space<vmem>>) semaphore(%arg13 : memref<!tpu.dma_semaphore, #tpu.memory_space<semaphore_mem>>)
    %barrier3A = arith.constant 0 : index
    tpu.barrier barrier_id(%barrier3A)
    %scan3A = arith.constant 0 : i32
    %scan3A_18 = arith.constant 79 : i32
    %scan3A_19 = arith.addi %scan3A, %scan3A_18 : i32
    %scan3A_20 = arith.constant 1 : i32
    scf.for %scan3A_40 = %scan3A to %scan3A_19 step %scan3A_20  : i32 {
      %mul3A_41 = arith.constant 2 : i32
      %mul3A_42 = arith.muli %scan3A_40, %mul3A_41 : i32
      %add3A_43 = arith.constant 0 : i32
      %add3A_44 = arith.addi %mul3A_42, %add3A_43 : i32
      %dma_wait3A_45 = arith.constant 0 : i32
      %dma_wait3A_46 = tpu.memref_slice %arg8[%add3A_44, %dma_wait3A_45] : memref<160x64xi32, #tpu.memory_space<vmem>> -> memref<1x64xi32, #tpu.memory_space<vmem>>
      %dma_wait3A_47 = tpu.memref_squeeze %dma_wait3A_46 : memref<1x64xi32, #tpu.memory_space<vmem>> -> memref<64xi32, #tpu.memory_space<vmem>>
      %dma_wait3A_48 = arith.constant 0 : i32
      %dma_wait3A_49 = arith.constant 0 : i32
      %dma_wait3A_50 = tpu.memref_slice %arg2[%dma_wait3A_48, %dma_wait3A_49] : memref<10176x144xf32, #tpu.memory_space<hbm>> -> memref<10176x144xf32, #tpu.memory_space<hbm>>
      tpu.wait_indirect_dma semaphore(%arg12 : memref<!tpu.dma_semaphore, #tpu.memory_space<semaphore_mem>>) src(%dma_wait3A_50 : memref<10176x144xf32, #tpu.memory_space<hbm>>) dst(%arg10 : memref<64x144xf32, #tpu.memory_space<vmem>>)
      "tpu.region"() ({
        %run_scoped3A = tpu.sem_alloc : memref<!tpu.dma_semaphore, #tpu.memory_space<semaphore_mem>>
        %dma_start3A_77 = arith.constant 0 : i32
        %dma_start3A_78 = tpu.memref_slice %arg9[%add3A_44, %dma_start3A_77] : memref<158x64xi32, #tpu.memory_space<vmem>> -> memref<1x64xi32, #tpu.memory_space<vmem>>
        %dma_start3A_79 = tpu.memref_squeeze %dma_start3A_78 : memref<1x64xi32, #tpu.memory_space<vmem>> -> memref<64xi32, #tpu.memory_space<vmem>>
        %dma_start3A_80 = arith.constant 0 : i32
        %dma_start3A_81 = arith.constant 0 : i32
        %dma_start3A_82 = tpu.memref_slice %arg7[%dma_start3A_80, %dma_start3A_81] : memref<10176x144xf32, #tpu.memory_space<vmem_shared>> -> memref<10176x144xf32, #tpu.memory_space<vmem_shared>>
        tpu.enqueue_indirect_dma source(%arg10 : memref<64x144xf32, #tpu.memory_space<vmem>>) target(%dma_start3A_82 : memref<10176x144xf32, #tpu.memory_space<vmem_shared>>) offsets(%dma_start3A_79 : memref<64xi32, #tpu.memory_space<vmem>>) semaphore(%run_scoped3A : memref<!tpu.dma_semaphore, #tpu.memory_space<semaphore_mem>>) {add = true}
        %dma_wait3A_83 = arith.constant 0 : i32
        %dma_wait3A_84 = tpu.memref_slice %arg9[%add3A_44, %dma_wait3A_83] : memref<158x64xi32, #tpu.memory_space<vmem>> -> memref<1x64xi32, #tpu.memory_space<vmem>>
        %dma_wait3A_85 = tpu.memref_squeeze %dma_wait3A_84 : memref<1x64xi32, #tpu.memory_space<vmem>> -> memref<64xi32, #tpu.memory_space<vmem>>
        %dma_wait3A_86 = arith.constant 0 : i32
        %dma_wait3A_87 = arith.constant 0 : i32
        %dma_wait3A_88 = tpu.memref_slice %arg7[%dma_wait3A_86, %dma_wait3A_87] : memref<10176x144xf32, #tpu.memory_space<vmem_shared>> -> memref<10176x144xf32, #tpu.memory_space<vmem_shared>>
        tpu.wait_indirect_dma semaphore(%run_scoped3A : memref<!tpu.dma_semaphore, #tpu.memory_space<semaphore_mem>>) src(%arg10 : memref<64x144xf32, #tpu.memory_space<vmem>>) dst(%dma_wait3A_88 : memref<10176x144xf32, #tpu.memory_space<vmem_shared>>)
        tpu.yield
      }) : () -> ()
      %add3A_51 = arith.constant 2 : i32
      %add3A_52 = arith.addi %add3A_44, %add3A_51 : i32
      %dma_start3A_53 = arith.constant 0 : i32
      %dma_start3A_54 = tpu.memref_slice %arg8[%add3A_52, %dma_start3A_53] : memref<160x64xi32, #tpu.memory_space<vmem>> -> memref<1x64xi32, #tpu.memory_space<vmem>>
      %dma_start3A_55 = tpu.memref_squeeze %dma_start3A_54 : memref<1x64xi32, #tpu.memory_space<vmem>> -> memref<64xi32, #tpu.memory_space<vmem>>
      %dma_start3A_56 = arith.constant 0 : i32
      %dma_start3A_57 = arith.constant 0 : i32
      %dma_start3A_58 = tpu.memref_slice %arg2[%dma_start3A_56, %dma_start3A_57] : memref<10176x144xf32, #tpu.memory_space<hbm>> -> memref<10176x144xf32, #tpu.memory_space<hbm>>
      tpu.enqueue_indirect_dma source(%dma_start3A_58 : memref<10176x144xf32, #tpu.memory_space<hbm>>) target(%arg10 : memref<64x144xf32, #tpu.memory_space<vmem>>) offsets(%dma_start3A_55 : memref<64xi32, #tpu.memory_space<vmem>>) semaphore(%arg12 : memref<!tpu.dma_semaphore, #tpu.memory_space<semaphore_mem>>)
      %mul3A_59 = arith.constant 2 : i32
      %mul3A_60 = arith.muli %scan3A_40, %mul3A_59 : i32
      %add3A_61 = arith.constant 1 : i32
      %add3A_62 = arith.addi %mul3A_60, %add3A_61 : i32
      %dma_wait3A_63 = arith.constant 0 : i32
      %dma_wait3A_64 = tpu.memref_slice %arg8[%add3A_62, %dma_wait3A_63] : memref<160x64xi32, #tpu.memory_space<vmem>> -> memref<1x64xi32, #tpu.memory_space<vmem>>
      %dma_wait3A_65 = tpu.memref_squeeze %dma_wait3A_64 : memref<1x64xi32, #tpu.memory_space<vmem>> -> memref<64xi32, #tpu.memory_space<vmem>>
      %dma_wait3A_66 = arith.constant 0 : i32
      %dma_wait3A_67 = arith.constant 0 : i32
      %dma_wait3A_68 = tpu.memref_slice %arg2[%dma_wait3A_66, %dma_wait3A_67] : memref<10176x144xf32, #tpu.memory_space<hbm>> -> memref<10176x144xf32, #tpu.memory_space<hbm>>
      tpu.wait_indirect_dma semaphore(%arg13 : memref<!tpu.dma_semaphore, #tpu.memory_space<semaphore_mem>>) src(%dma_wait3A_68 : memref<10176x144xf32, #tpu.memory_space<hbm>>) dst(%arg11 : memref<64x144xf32, #tpu.memory_space<vmem>>)
      "tpu.region"() ({
        %run_scoped3A = tpu.sem_alloc : memref<!tpu.dma_semaphore, #tpu.memory_space<semaphore_mem>>
        %dma_start3A_77 = arith.constant 0 : i32
        %dma_start3A_78 = tpu.memref_slice %arg9[%add3A_62, %dma_start3A_77] : memref<158x64xi32, #tpu.memory_space<vmem>> -> memref<1x64xi32, #tpu.memory_space<vmem>>
        %dma_start3A_79 = tpu.memref_squeeze %dma_start3A_78 : memref<1x64xi32, #tpu.memory_space<vmem>> -> memref<64xi32, #tpu.memory_space<vmem>>
        %dma_start3A_80 = arith.constant 0 : i32
        %dma_start3A_81 = arith.constant 0 : i32
        %dma_start3A_82 = tpu.memref_slice %arg7[%dma_start3A_80, %dma_start3A_81] : memref<10176x144xf32, #tpu.memory_space<vmem_shared>> -> memref<10176x144xf32, #tpu.memory_space<vmem_shared>>
        tpu.enqueue_indirect_dma source(%arg11 : memref<64x144xf32, #tpu.memory_space<vmem>>) target(%dma_start3A_82 : memref<10176x144xf32, #tpu.memory_space<vmem_shared>>) offsets(%dma_start3A_79 : memref<64xi32, #tpu.memory_space<vmem>>) semaphore(%run_scoped3A : memref<!tpu.dma_semaphore, #tpu.memory_space<semaphore_mem>>) {add = true}
        %dma_wait3A_83 = arith.constant 0 : i32
        %dma_wait3A_84 = tpu.memref_slice %arg9[%add3A_62, %dma_wait3A_83] : memref<158x64xi32, #tpu.memory_space<vmem>> -> memref<1x64xi32, #tpu.memory_space<vmem>>
        %dma_wait3A_85 = tpu.memref_squeeze %dma_wait3A_84 : memref<1x64xi32, #tpu.memory_space<vmem>> -> memref<64xi32, #tpu.memory_space<vmem>>
        %dma_wait3A_86 = arith.constant 0 : i32
        %dma_wait3A_87 = arith.constant 0 : i32
        %dma_wait3A_88 = tpu.memref_slice %arg7[%dma_wait3A_86, %dma_wait3A_87] : memref<10176x144xf32, #tpu.memory_space<vmem_shared>> -> memref<10176x144xf32, #tpu.memory_space<vmem_shared>>
        tpu.wait_indirect_dma semaphore(%run_scoped3A : memref<!tpu.dma_semaphore, #tpu.memory_space<semaphore_mem>>) src(%arg11 : memref<64x144xf32, #tpu.memory_space<vmem>>) dst(%dma_wait3A_88 : memref<10176x144xf32, #tpu.memory_space<vmem_shared>>)
        tpu.yield
      }) : () -> ()
      %add3A_69 = arith.constant 2 : i32
      %add3A_70 = arith.addi %add3A_62, %add3A_69 : i32
      %dma_start3A_71 = arith.constant 0 : i32
      %dma_start3A_72 = tpu.memref_slice %arg8[%add3A_70, %dma_start3A_71] : memref<160x64xi32, #tpu.memory_space<vmem>> -> memref<1x64xi32, #tpu.memory_space<vmem>>
      %dma_start3A_73 = tpu.memref_squeeze %dma_start3A_72 : memref<1x64xi32, #tpu.memory_space<vmem>> -> memref<64xi32, #tpu.memory_space<vmem>>
      %dma_start3A_74 = arith.constant 0 : i32
      %dma_start3A_75 = arith.constant 0 : i32
      %dma_start3A_76 = tpu.memref_slice %arg2[%dma_start3A_74, %dma_start3A_75] : memref<10176x144xf32, #tpu.memory_space<hbm>> -> memref<10176x144xf32, #tpu.memory_space<hbm>>
      tpu.enqueue_indirect_dma source(%dma_start3A_76 : memref<10176x144xf32, #tpu.memory_space<hbm>>) target(%arg11 : memref<64x144xf32, #tpu.memory_space<vmem>>) offsets(%dma_start3A_73 : memref<64xi32, #tpu.memory_space<vmem>>) semaphore(%arg13 : memref<!tpu.dma_semaphore, #tpu.memory_space<semaphore_mem>>)
    }
    %scan3A_21 = arith.constant 79 : i32
    %dma_wait3A = arith.constant 0 : i32
    %dma_wait3A_22 = arith.constant 0 : i32
    %dma_wait3A_23 = tpu.memref_slice %arg8[%dma_wait3A, %dma_wait3A_22] : memref<160x64xi32, #tpu.memory_space<vmem>> -> memref<1x64xi32, #tpu.memory_space<vmem>>
    %dma_wait3A_24 = tpu.memref_squeeze %dma_wait3A_23 : memref<1x64xi32, #tpu.memory_space<vmem>> -> memref<64xi32, #tpu.memory_space<vmem>>
    %dma_wait3A_25 = arith.constant 0 : i32
    %dma_wait3A_26 = arith.constant 0 : i32
    %dma_wait3A_27 = tpu.memref_slice %arg2[%dma_wait3A_25, %dma_wait3A_26] : memref<10176x144xf32, #tpu.memory_space<hbm>> -> memref<10176x144xf32, #tpu.memory_space<hbm>>
    tpu.wait_indirect_dma semaphore(%arg12 : memref<!tpu.dma_semaphore, #tpu.memory_space<semaphore_mem>>) src(%dma_wait3A_27 : memref<10176x144xf32, #tpu.memory_space<hbm>>) dst(%arg10 : memref<64x144xf32, #tpu.memory_space<vmem>>)
    %dma_wait3A_28 = arith.constant 0 : i32
    %dma_wait3A_29 = arith.constant 0 : i32
    %dma_wait3A_30 = tpu.memref_slice %arg8[%dma_wait3A_28, %dma_wait3A_29] : memref<160x64xi32, #tpu.memory_space<vmem>> -> memref<1x64xi32, #tpu.memory_space<vmem>>
    %dma_wait3A_31 = tpu.memref_squeeze %dma_wait3A_30 : memref<1x64xi32, #tpu.memory_space<vmem>> -> memref<64xi32, #tpu.memory_space<vmem>>
    %dma_wait3A_32 = arith.constant 0 : i32
    %dma_wait3A_33 = arith.constant 0 : i32
    %dma_wait3A_34 = tpu.memref_slice %arg2[%dma_wait3A_32, %dma_wait3A_33] : memref<10176x144xf32, #tpu.memory_space<hbm>> -> memref<10176x144xf32, #tpu.memory_space<hbm>>
    tpu.wait_indirect_dma semaphore(%arg13 : memref<!tpu.dma_semaphore, #tpu.memory_space<semaphore_mem>>) src(%dma_wait3A_34 : memref<10176x144xf32, #tpu.memory_space<hbm>>) dst(%arg11 : memref<64x144xf32, #tpu.memory_space<vmem>>)
    %barrier3A_35 = arith.constant 0 : index
    tpu.barrier barrier_id(%barrier3A_35)
    %mul3A_36 = arith.constant 636 : i32
    %mul3A_37 = arith.muli %arg1, %mul3A_36 : i32
    %mul3A_38 = arith.constant 636 : i32
    %mul3A_39 = arith.muli %arg1, %mul3A_38 : i32
    "tpu.region"() ({
      %run_scoped3A = tpu.sem_alloc : memref<!tpu.dma_semaphore, #tpu.memory_space<semaphore_mem>>
      %dma_start3A_40 = arith.constant 0 : i32
      %dma_start3A_41 = tpu.memref_slice %arg6[%arg0, %mul3A_39, %dma_start3A_40] : memref<2x10176x144xf32, #tpu.memory_space<hbm>> -> memref<1x636x144xf32, #tpu.memory_space<hbm>>
      %dma_start3A_42 = tpu.memref_squeeze %dma_start3A_41 : memref<1x636x144xf32, #tpu.memory_space<hbm>> -> memref<636x144xf32, #tpu.memory_space<hbm>>
      %dma_start3A_43 = arith.constant 0 : i32
      %dma_start3A_44 = tpu.memref_slice %arg7[%mul3A_37, %dma_start3A_43] : memref<10176x144xf32, #tpu.memory_space<vmem_shared>> -> memref<636x144xf32, #tpu.memory_space<vmem_shared>>
      tpu.enqueue_dma source(%dma_start3A_44 : memref<636x144xf32, #tpu.memory_space<vmem_shared>>) target(%dma_start3A_42 : memref<636x144xf32, #tpu.memory_space<hbm>>) target_semaphore(%run_scoped3A : memref<!tpu.dma_semaphore, #tpu.memory_space<semaphore_mem>>)
      %dma_wait3A_45 = arith.constant 0 : i32
      %dma_wait3A_46 = tpu.memref_slice %arg6[%arg0, %mul3A_39, %dma_wait3A_45] : memref<2x10176x144xf32, #tpu.memory_space<hbm>> -> memref<1x636x144xf32, #tpu.memory_space<hbm>>
      %dma_wait3A_47 = tpu.memref_squeeze %dma_wait3A_46 : memref<1x636x144xf32, #tpu.memory_space<hbm>> -> memref<636x144xf32, #tpu.memory_space<hbm>>
      %dma_wait3A_48 = arith.constant 0 : i32
      %dma_wait3A_49 = tpu.memref_slice %arg7[%mul3A_37, %dma_wait3A_48] : memref<10176x144xf32, #tpu.memory_space<vmem_shared>> -> memref<636x144xf32, #tpu.memory_space<vmem_shared>>
      tpu.wait_dma2 semaphore(%run_scoped3A : memref<!tpu.dma_semaphore, #tpu.memory_space<semaphore_mem>>) src(%dma_wait3A_49 : memref<636x144xf32, #tpu.memory_space<vmem_shared>>) dst(%dma_wait3A_47 : memref<636x144xf32, #tpu.memory_space<hbm>>)
      tpu.yield
    }) : () -> ()
    return
  }
}

module attributes {stable_mosaic.version = 14 : i64} {
  func.func @body(%arg0: i32, %arg1: memref<2x1272x144xf32, #tpu.memory_space<vmem>>, %arg2: memref<1272x128xf32, #tpu.memory_space<vmem>>, %arg3: memref<128x128xf32, #tpu.memory_space<vmem>>, %arg4: memref<1x128xf32, #tpu.memory_space<vmem>>, %arg5: memref<128x128xf32, #tpu.memory_space<vmem>>, %arg6: memref<1272x144xf32, #tpu.memory_space<vmem>>) attributes {dimension_semantics = [#tpu.dimension_semantics<arbitrary>], iteration_bounds = array<i64: 8>, scalar_prefetch = 0 : i64, scratch_operands = 0 : i64, tpu.core_type = #tpu.core_type<tc>, window_params = [{transform_indices = @transform_0, window_bounds = array<i64: 2, 1272, 144>}, {transform_indices = @transform_1, window_bounds = array<i64: 1272, 128>}, {pipeline_mode = #tpu.pipeline_mode<synchronous>, transform_indices = @transform_2, window_bounds = array<i64: 128, 128>}, {pipeline_mode = #tpu.pipeline_mode<synchronous>, transform_indices = @transform_3, window_bounds = array<i64: 1, 128>}, {pipeline_mode = #tpu.pipeline_mode<synchronous>, transform_indices = @transform_4, window_bounds = array<i64: 128, 128>}, {transform_indices = @transform_5, window_bounds = array<i64: 1272, 144>}]} {
    %get3A = arith.constant 0 : index
    %get3A_0 = arith.constant 0 : index
    %get3A_1 = arith.constant 0 : index
    %get3A_2 = vector.load %arg1[%get3A, %get3A_0, %get3A_1] : memref<2x1272x144xf32, #tpu.memory_space<vmem>>, vector<1x1272x144xf32>
    %get3A_3 = vector.shape_cast %get3A_2 : vector<1x1272x144xf32> to vector<1272x144xf32>
    %get3A_4 = arith.constant 1 : index
    %get3A_5 = arith.constant 0 : index
    %get3A_6 = arith.constant 0 : index
    %get3A_7 = vector.load %arg1[%get3A_4, %get3A_5, %get3A_6] : memref<2x1272x144xf32, #tpu.memory_space<vmem>>, vector<1x1272x144xf32>
    %get3A_8 = vector.shape_cast %get3A_7 : vector<1x1272x144xf32> to vector<1272x144xf32>
    %add3A = arith.addf %get3A_3, %get3A_8 : vector<1272x144xf32>
    %slice3A = vector.extract_strided_slice %add3A {offsets = [0, 128], sizes = [1272, 1], strides = [1, 1]} : vector<1272x144xf32> to vector<1272x1xf32>
    %jit3A = arith.constant 1.000000e+00 : f32
    %max3A = vector.broadcast %jit3A : f32 to vector<1272x1xf32>
    %max3A_9 = arith.maximumf %max3A, %slice3A : vector<1272x1xf32>
    %slice3A_10 = vector.extract_strided_slice %add3A {offsets = [0, 0], sizes = [1272, 128], strides = [1, 1]} : vector<1272x144xf32> to vector<1272x128xf32>
    %div3A = vector.broadcast %max3A_9 : vector<1272x1xf32> to vector<1272x128xf32>
    %div3A_11 = arith.divf %slice3A_10, %div3A : vector<1272x128xf32>
    %get3A_12 = arith.constant 0 : index
    %get3A_13 = arith.constant 0 : index
    %get3A_14 = vector.load %arg3[%get3A_12, %get3A_13] : memref<128x128xf32, #tpu.memory_space<vmem>>, vector<128x128xf32>
    %dot_general3A = arith.constant dense<0.000000e+00> : vector<1272x128xf32>
    %dot_general3A_15 = tpu.matmul %div3A_11, %get3A_14, %dot_general3A {dimension_numbers = #tpu.dot_dimension_numbers<[1], [0], [0], [1], [0, 0, 1, 1], [], []>, transpose_lhs_hint = false} : vector<1272x128xf32>, vector<128x128xf32>, vector<1272x128xf32> -> vector<1272x128xf32>
    %get3A_16 = arith.constant 0 : index
    %get3A_17 = arith.constant 0 : index
    %get3A_18 = vector.load %arg4[%get3A_16, %get3A_17] : memref<1x128xf32, #tpu.memory_space<vmem>>, vector<1x128xf32>
    %add3A_19 = vector.broadcast %get3A_18 : vector<1x128xf32> to vector<1272x128xf32>
    %add3A_20 = arith.addf %dot_general3A_15, %add3A_19 : vector<1272x128xf32>
    %get3A_21 = arith.constant 0 : index
    %get3A_22 = arith.constant 0 : index
    %get3A_23 = vector.load %arg2[%get3A_21, %get3A_22] : memref<1272x128xf32, #tpu.memory_space<vmem>>, vector<1272x128xf32>
    %get3A_24 = arith.constant 0 : index
    %get3A_25 = arith.constant 0 : index
    %get3A_26 = vector.load %arg5[%get3A_24, %get3A_25] : memref<128x128xf32, #tpu.memory_space<vmem>>, vector<128x128xf32>
    %dot_general3A_27 = arith.constant dense<0.000000e+00> : vector<1272x128xf32>
    %dot_general3A_28 = tpu.matmul %get3A_23, %get3A_26, %dot_general3A_27 {dimension_numbers = #tpu.dot_dimension_numbers<[1], [0], [0], [1], [0, 0, 1, 1], [], []>, transpose_lhs_hint = false} : vector<1272x128xf32>, vector<128x128xf32>, vector<1272x128xf32> -> vector<1272x128xf32>
    %add3A_29 = arith.addf %add3A_20, %dot_general3A_28 : vector<1272x128xf32>
    %max3A_30 = arith.constant 0.000000e+00 : f32
    %max3A_31 = vector.broadcast %max3A_30 : f32 to vector<1272x128xf32>
    %max3A_32 = arith.maximumf %add3A_29, %max3A_31 : vector<1272x128xf32>
    %swap3A = arith.constant 0 : index
    %swap3A_33 = arith.constant 0 : index
    %swap3A_34 = vector.load %arg6[%swap3A, %swap3A_33] : memref<1272x144xf32, #tpu.memory_space<vmem>>, vector<1272x128xf32>
    tpu.vector_store %arg6[%swap3A, %swap3A_33], %max3A_32 {strides = array<i32>} : memref<1272x144xf32, #tpu.memory_space<vmem>>, vector<1272x128xf32>,
    %iota3A = tpu.iota {dimensions = array<i32: 1>} : vector<1272x16xi32>
    %eq3A = arith.constant 0 : i32
    %eq3A_35 = vector.broadcast %eq3A : i32 to vector<1272x16xi32>
    %eq3A_36 = arith.cmpi eq, %iota3A, %eq3A_35 : vector<1272x16xi32>
    %convert_element_type3A = arith.extui %eq3A_36 : vector<1272x16xi1> to vector<1272x16xi32>
    %convert_element_type3A_37 = arith.sitofp %convert_element_type3A : vector<1272x16xi32> to vector<1272x16xf32>
    %swap3A_38 = arith.constant 0 : index
    %swap3A_39 = arith.constant 128 : index
    %swap3A_40 = vector.load %arg6[%swap3A_38, %swap3A_39] : memref<1272x144xf32, #tpu.memory_space<vmem>>, vector<1272x16xf32>
    tpu.vector_store %arg6[%swap3A_38, %swap3A_39], %convert_element_type3A_37 {strides = array<i32>} : memref<1272x144xf32, #tpu.memory_space<vmem>>, vector<1272x16xf32>,
    return
  }
  func.func @transform_0(%arg0: i32) -> (i32, i32, i32) {
    %c0_i32 = arith.constant 0 : i32
    %c0_i32_0 = arith.constant 0 : i32
    %c0_i32_1 = arith.constant 0 : i32
    return %c0_i32, %arg0, %c0_i32_0 : i32, i32, i32
  }
  func.func @transform_1(%arg0: i32) -> (i32, i32) {
    %c0_i32 = arith.constant 0 : i32
    %c0_i32_0 = arith.constant 0 : i32
    return %arg0, %c0_i32 : i32, i32
  }
  func.func @transform_2(%arg0: i32) -> (i32, i32) {
    %c0_i32 = arith.constant 0 : i32
    %c0_i32_0 = arith.constant 0 : i32
    %c0_i32_1 = arith.constant 0 : i32
    return %c0_i32, %c0_i32_0 : i32, i32
  }
  func.func @transform_3(%arg0: i32) -> (i32, i32) {
    %c0_i32 = arith.constant 0 : i32
    %c0_i32_0 = arith.constant 0 : i32
    %c0_i32_1 = arith.constant 0 : i32
    return %c0_i32, %c0_i32_0 : i32, i32
  }
  func.func @transform_4(%arg0: i32) -> (i32, i32) {
    %c0_i32 = arith.constant 0 : i32
    %c0_i32_0 = arith.constant 0 : i32
    %c0_i32_1 = arith.constant 0 : i32
    return %c0_i32, %c0_i32_0 : i32, i32
  }
  func.func @transform_5(%arg0: i32) -> (i32, i32) {
    %c0_i32 = arith.constant 0 : i32
    %c0_i32_0 = arith.constant 0 : i32
    return %arg0, %c0_i32 : i32, i32
  }
}

module attributes {stable_mosaic.version = 14 : i64} {
  func.func @body(%arg0: i32, %arg1: memref<2x1272x144xf32, #tpu.memory_space<vmem>>, %arg2: memref<1272x144xf32, #tpu.memory_space<vmem>>, %arg3: memref<1x1x1272xi32, #tpu.memory_space<vmem>>, %arg4: memref<128x128xf32, #tpu.memory_space<vmem>>, %arg5: memref<1x128xf32, #tpu.memory_space<vmem>>, %arg6: memref<128x128xf32, #tpu.memory_space<vmem>>, %arg7: memref<128x128xf32, #tpu.memory_space<vmem>>, %arg8: memref<128x128xf32, #tpu.memory_space<vmem>>, %arg9: memref<128x1xf32, #tpu.memory_space<vmem>>) attributes {dimension_semantics = [#tpu.dimension_semantics<arbitrary>], iteration_bounds = array<i64: 8>, scalar_prefetch = 0 : i64, scratch_operands = 2 : i64, tpu.core_type = #tpu.core_type<tc>, window_params = [{transform_indices = @transform_0, window_bounds = array<i64: 2, 1272, 144>}, {transform_indices = @transform_1, window_bounds = array<i64: 1272, 144>}, {transform_indices = @transform_2, window_bounds = array<i64: 1, 1, 1272>}, {pipeline_mode = #tpu.pipeline_mode<synchronous>, transform_indices = @transform_3, window_bounds = array<i64: 128, 128>}, {pipeline_mode = #tpu.pipeline_mode<synchronous>, transform_indices = @transform_4, window_bounds = array<i64: 1, 128>}, {pipeline_mode = #tpu.pipeline_mode<synchronous>, transform_indices = @transform_5, window_bounds = array<i64: 128, 128>}, {pipeline_mode = #tpu.pipeline_mode<synchronous>, transform_indices = @transform_6, window_bounds = array<i64: 128, 128>}]} {
    %get3A = arith.constant 0 : index
    %get3A_0 = arith.constant 0 : index
    %get3A_1 = arith.constant 0 : index
    %get3A_2 = vector.load %arg1[%get3A, %get3A_0, %get3A_1] : memref<2x1272x144xf32, #tpu.memory_space<vmem>>, vector<1x1272x144xf32>
    %get3A_3 = vector.shape_cast %get3A_2 : vector<1x1272x144xf32> to vector<1272x144xf32>
    %get3A_4 = arith.constant 1 : index
    %get3A_5 = arith.constant 0 : index
    %get3A_6 = arith.constant 0 : index
    %get3A_7 = vector.load %arg1[%get3A_4, %get3A_5, %get3A_6] : memref<2x1272x144xf32, #tpu.memory_space<vmem>>, vector<1x1272x144xf32>
    %get3A_8 = vector.shape_cast %get3A_7 : vector<1x1272x144xf32> to vector<1272x144xf32>
    %add3A = arith.addf %get3A_3, %get3A_8 : vector<1272x144xf32>
    %slice3A = vector.extract_strided_slice %add3A {offsets = [0, 128], sizes = [1272, 1], strides = [1, 1]} : vector<1272x144xf32> to vector<1272x1xf32>
    %jit3A = arith.constant 1.000000e+00 : f32
    %max3A = vector.broadcast %jit3A : f32 to vector<1272x1xf32>
    %max3A_9 = arith.maximumf %max3A, %slice3A : vector<1272x1xf32>
    %slice3A_10 = vector.extract_strided_slice %add3A {offsets = [0, 0], sizes = [1272, 128], strides = [1, 1]} : vector<1272x144xf32> to vector<1272x128xf32>
    %div3A = vector.broadcast %max3A_9 : vector<1272x1xf32> to vector<1272x128xf32>
    %div3A_11 = arith.divf %slice3A_10, %div3A : vector<1272x128xf32>
    %get3A_12 = arith.constant 0 : index
    %get3A_13 = arith.constant 0 : index
    %get3A_14 = vector.load %arg4[%get3A_12, %get3A_13] : memref<128x128xf32, #tpu.memory_space<vmem>>, vector<128x128xf32>
    %dot_general3A = arith.constant dense<0.000000e+00> : vector<1272x128xf32>
    %dot_general3A_15 = tpu.matmul %div3A_11, %get3A_14, %dot_general3A {dimension_numbers = #tpu.dot_dimension_numbers<[1], [0], [0], [1], [0, 0, 1, 1], [], []>, transpose_lhs_hint = false} : vector<1272x128xf32>, vector<128x128xf32>, vector<1272x128xf32> -> vector<1272x128xf32>
    %get3A_16 = arith.constant 0 : index
    %get3A_17 = arith.constant 0 : index
    %get3A_18 = vector.load %arg5[%get3A_16, %get3A_17] : memref<1x128xf32, #tpu.memory_space<vmem>>, vector<1x128xf32>
    %add3A_19 = vector.broadcast %get3A_18 : vector<1x128xf32> to vector<1272x128xf32>
    %add3A_20 = arith.addf %dot_general3A_15, %add3A_19 : vector<1272x128xf32>
    %get3A_21 = arith.constant 0 : index
    %get3A_22 = arith.constant 0 : index
    %get3A_23 = vector.load %arg2[%get3A_21, %get3A_22] : memref<1272x144xf32, #tpu.memory_space<vmem>>, vector<1272x128xf32>
    %get3A_24 = arith.constant 0 : index
    %get3A_25 = arith.constant 0 : index
    %get3A_26 = vector.load %arg6[%get3A_24, %get3A_25] : memref<128x128xf32, #tpu.memory_space<vmem>>, vector<128x128xf32>
    %dot_general3A_27 = arith.constant dense<0.000000e+00> : vector<1272x128xf32>
    %dot_general3A_28 = tpu.matmul %get3A_23, %get3A_26, %dot_general3A_27 {dimension_numbers = #tpu.dot_dimension_numbers<[1], [0], [0], [1], [0, 0, 1, 1], [], []>, transpose_lhs_hint = false} : vector<1272x128xf32>, vector<128x128xf32>, vector<1272x128xf32> -> vector<1272x128xf32>
    %add3A_29 = arith.addf %add3A_20, %dot_general3A_28 : vector<1272x128xf32>
    %get3A_30 = arith.constant 0 : index
    %get3A_31 = arith.constant 0 : index
    %get3A_32 = arith.constant 0 : index
    %get3A_33 = vector.load %arg3[%get3A_30, %get3A_31, %get3A_32] : memref<1x1x1272xi32, #tpu.memory_space<vmem>>, vector<1x1x1272xi32>
    %get3A_34 = vector.shape_cast %get3A_33 : vector<1x1x1272xi32> to vector<1x1272xi32>
    %iota3A = tpu.iota {dimensions = array<i32: 0>} : vector<128x1272xi32>
    %eq3A = vector.broadcast %get3A_34 : vector<1x1272xi32> to vector<128x1272xi32>
    %eq3A_35 = arith.cmpi eq, %eq3A, %iota3A : vector<128x1272xi32>
    %convert_element_type3A = arith.extui %eq3A_35 : vector<128x1272xi1> to vector<128x1272xi32>
    %convert_element_type3A_36 = arith.sitofp %convert_element_type3A : vector<128x1272xi32> to vector<128x1272xf32>
    %dot_general3A_37 = arith.constant dense<0.000000e+00> : vector<128x128xf32>
    %dot_general3A_38 = tpu.matmul %convert_element_type3A_36, %add3A_29, %dot_general3A_37 {dimension_numbers = #tpu.dot_dimension_numbers<[1], [0], [0], [1], [0, 0, 1, 1], [], []>, transpose_lhs_hint = false} : vector<128x1272xf32>, vector<1272x128xf32>, vector<128x128xf32> -> vector<128x128xf32>
    %reduce_sum3A = arith.constant dense<0.000000e+00> : vector<128xf32>
    %reduce_sum3A_39 = vector.multi_reduction <add>, %convert_element_type3A_36, %reduce_sum3A [1] : vector<128x1272xf32> to vector<128xf32>
    %broadcast_in_dim3A = vector.shape_cast %reduce_sum3A_39 : vector<128xf32> to vector<128x1xf32>
    %eq3A_40 = arith.constant 0 : i32
    %eq3A_41 = arith.cmpi eq, %arg0, %eq3A_40 : i32
    %convert_element_type3A_42 = arith.extui %eq3A_41 : i1 to i32
    %cond3A = arith.constant 0 : i32
    %cond3A_43 = arith.cmpi ne, %convert_element_type3A_42, %cond3A : i32
    scf.if %cond3A_43 {
      %broadcast_in_dim3A_62 = arith.constant 0.000000e+00 : f32
      %broadcast_in_dim3A_63 = vector.broadcast %broadcast_in_dim3A_62 : f32 to vector<128x128xf32>
      %swap3A_64 = arith.constant 0 : index
      %swap3A_65 = arith.constant 0 : index
      %swap3A_66 = vector.load %arg8[%swap3A_64, %swap3A_65] : memref<128x128xf32, #tpu.memory_space<vmem>>, vector<128x128xf32>
      tpu.vector_store %arg8[%swap3A_64, %swap3A_65], %broadcast_in_dim3A_63 {strides = array<i32>} : memref<128x128xf32, #tpu.memory_space<vmem>>, vector<128x128xf32>,
      %broadcast_in_dim3A_67 = arith.constant 0.000000e+00 : f32
      %broadcast_in_dim3A_68 = vector.broadcast %broadcast_in_dim3A_67 : f32 to vector<128x1xf32>
      %swap3A_69 = arith.constant 0 : index
      %swap3A_70 = arith.constant 0 : index
      %swap3A_71 = vector.load %arg9[%swap3A_69, %swap3A_70] : memref<128x1xf32, #tpu.memory_space<vmem>>, vector<128x1xf32>
      tpu.vector_store %arg9[%swap3A_69, %swap3A_70], %broadcast_in_dim3A_68 {strides = array<i32>} : memref<128x1xf32, #tpu.memory_space<vmem>>, vector<128x1xf32>,
    } else {
    }
    %get3A_44 = arith.constant 0 : index
    %get3A_45 = arith.constant 0 : index
    %get3A_46 = vector.load %arg8[%get3A_44, %get3A_45] : memref<128x128xf32, #tpu.memory_space<vmem>>, vector<128x128xf32>
    %add3A_47 = arith.addf %get3A_46, %dot_general3A_38 : vector<128x128xf32>
    %swap3A = arith.constant 0 : index
    %swap3A_48 = arith.constant 0 : index
    %swap3A_49 = vector.load %arg8[%swap3A, %swap3A_48] : memref<128x128xf32, #tpu.memory_space<vmem>>, vector<128x128xf32>
    tpu.vector_store %arg8[%swap3A, %swap3A_48], %add3A_47 {strides = array<i32>} : memref<128x128xf32, #tpu.memory_space<vmem>>, vector<128x128xf32>,
    %get3A_50 = arith.constant 0 : index
    %get3A_51 = arith.constant 0 : index
    %get3A_52 = vector.load %arg9[%get3A_50, %get3A_51] : memref<128x1xf32, #tpu.memory_space<vmem>>, vector<128x1xf32>
    %add3A_53 = arith.addf %get3A_52, %broadcast_in_dim3A : vector<128x1xf32>
    %swap3A_54 = arith.constant 0 : index
    %swap3A_55 = arith.constant 0 : index
    %swap3A_56 = vector.load %arg9[%swap3A_54, %swap3A_55] : memref<128x1xf32, #tpu.memory_space<vmem>>, vector<128x1xf32>
    tpu.vector_store %arg9[%swap3A_54, %swap3A_55], %add3A_53 {strides = array<i32>} : memref<128x1xf32, #tpu.memory_space<vmem>>, vector<128x1xf32>,
    %eq3A_57 = arith.constant 7 : i32
    %eq3A_58 = arith.cmpi eq, %arg0, %eq3A_57 : i32
    %convert_element_type3A_59 = arith.extui %eq3A_58 : i1 to i32
    %cond3A_60 = arith.constant 0 : i32
    %cond3A_61 = arith.cmpi ne, %convert_element_type3A_59, %cond3A_60 : i32
    scf.if %cond3A_61 {
      %get3A_62 = arith.constant 0 : index
      %get3A_63 = arith.constant 0 : index
      %get3A_64 = vector.load %arg8[%get3A_62, %get3A_63] : memref<128x128xf32, #tpu.memory_space<vmem>>, vector<128x128xf32>
      %get3A_65 = arith.constant 0 : index
      %get3A_66 = arith.constant 0 : index
      %get3A_67 = vector.load %arg9[%get3A_65, %get3A_66] : memref<128x1xf32, #tpu.memory_space<vmem>>, vector<128x1xf32>
      %jit3A_68 = arith.constant 1.000000e+00 : f32
      %max3A_69 = vector.broadcast %jit3A_68 : f32 to vector<128x1xf32>
      %max3A_70 = arith.maximumf %max3A_69, %get3A_67 : vector<128x1xf32>
      %div3A_71 = vector.broadcast %max3A_70 : vector<128x1xf32> to vector<128x128xf32>
      %div3A_72 = arith.divf %get3A_64, %div3A_71 : vector<128x128xf32>
      %swap3A_73 = arith.constant 0 : index
      %swap3A_74 = arith.constant 0 : index
      %swap3A_75 = vector.load %arg7[%swap3A_73, %swap3A_74] : memref<128x128xf32, #tpu.memory_space<vmem>>, vector<128x128xf32>
      tpu.vector_store %arg7[%swap3A_73, %swap3A_74], %div3A_72 {strides = array<i32>} : memref<128x128xf32, #tpu.memory_space<vmem>>, vector<128x128xf32>,
    } else {
    }
    return
  }
  func.func @transform_0(%arg0: i32) -> (i32, i32, i32) {
    %c0_i32 = arith.constant 0 : i32
    %c0_i32_0 = arith.constant 0 : i32
    %c0_i32_1 = arith.constant 0 : i32
    return %c0_i32, %arg0, %c0_i32_0 : i32, i32, i32
  }
  func.func @transform_1(%arg0: i32) -> (i32, i32) {
    %c0_i32 = arith.constant 0 : i32
    %c0_i32_0 = arith.constant 0 : i32
    return %arg0, %c0_i32 : i32, i32
  }
  func.func @transform_2(%arg0: i32) -> (i32, i32, i32) {
    %c0_i32 = arith.constant 0 : i32
    %c0_i32_0 = arith.constant 0 : i32
    %c0_i32_1 = arith.constant 0 : i32
    return %arg0, %c0_i32, %c0_i32_0 : i32, i32, i32
  }
  func.func @transform_3(%arg0: i32) -> (i32, i32) {
    %c0_i32 = arith.constant 0 : i32
    %c0_i32_0 = arith.constant 0 : i32
    %c0_i32_1 = arith.constant 0 : i32
    return %c0_i32, %c0_i32_0 : i32, i32
  }
  func.func @transform_4(%arg0: i32) -> (i32, i32) {
    %c0_i32 = arith.constant 0 : i32
    %c0_i32_0 = arith.constant 0 : i32
    %c0_i32_1 = arith.constant 0 : i32
    return %c0_i32, %c0_i32_0 : i32, i32
  }
  func.func @transform_5(%arg0: i32) -> (i32, i32) {
    %c0_i32 = arith.constant 0 : i32
    %c0_i32_0 = arith.constant 0 : i32
    %c0_i32_1 = arith.constant 0 : i32
    return %c0_i32, %c0_i32_0 : i32, i32
  }
  func.func @transform_6(%arg0: i32) -> (i32, i32) {
    %c0_i32 = arith.constant 0 : i32
    %c0_i32_0 = arith.constant 0 : i32
    %c0_i32_1 = arith.constant 0 : i32
    return %c0_i32, %c0_i32_0 : i32, i32
  }
}

</mosaic_0001>

<sc_bundles>
// kernel: kernel.6.cloned.1.call-start
scs
__scs_entry_jumppad:
0x0: {  	(pc) =	sbr.rel $0x88, $3  }
0x1: {  	(tag) =	ssettag $0x0;
	lr =	simm.s32 $0x1  }
0x2: {  	[smem:$0x3F98] =	sst lr;
	_ =	strace $0xD0000000  }
0x3: {  	_ = 	snop  }
0x4: {  	_ = 	snop  }
0x5: {  	_ = 	snop  }
0x6: {  	_ = 	snop  }
0x7: {  	_ = 	snop  }
__scs_overlays_trampoline_lowered:
0x8: {  	[smem:$0x3FA7] =	sst s0  }
0x9: {  	[smem:$0x3FA8] =	sst s1  }
0xa: {  	[smem:$0x3FA9] =	sst s2  }
0xb: {  	[smem:$0x3FAA] =	sst s3  }
0xc: {  	[smem:$0x3FAB] =	sst s4  }
0xd: {  	[smem:$0x3FAC] =	sst s5  }
0xe: {  	[smem:$0x3FAD] =	sst s6  }
0xf: {  	[smem:$0x3FAE] =	sst s7  }
0x10: {  	[smem:$0x3FAF] =	sst s8  }
0x11: {  	[smem:$0x3FB0] =	sst s9;
	s0 =	simm.s32 @!p0 $0x0  }
0x12: {  	s1 =	sld [smem:$0x3F96];
	s0 =	simm.s32 @p0 $0x1  }
0x13: {  	[smem:$0x3FB1] =	sst s0;
	s0 =	simm.s32 @!p1 $0x0  }
0x14: {  	s2 =	sld [smem:$0x3F95];
	s0 =	simm.s32 @p1 $0x1  }
0x15: {  	[smem:$0x3FB2] =	sst s0;
	s0 =	simm.s32 @!p2 $0x0  }
0x16: {  	s3 =	sld [smem:$0x3FDB];
	s0 =	simm.s32 @p2 $0x1  }
0x17: {  	s4 =	simm.s32 $0x1BF5;
	[smem:$0x3FB4] =	sst s0  }
0x18: {  	s0 =	sld [smem:$0x3F97];
	_ =	swait.ge [sflag:s4], $0x0  }
0x19: {  	s7 =	sld [smem:$0x3F98]  }
0x1a: {  	s8 =	sadd.s32 $0xFFFFE003, lr  }
0x1b: {  	s9 =	sadd.s32 $0xFFFFFEF7, lr;
	s5 =	simm.s32 $0xFFFFFFFF;
	p2 =	slt.u32 s8, $0xFFFFF086  }
0x1c: {  	p1 =	slt.u32 s9, $0xF7A;
	s5 =	simm.s32 @!p2 $0x0  }
0x1d: {  	s5 =	simm.s32 @p1 $0x1;
	p0 =	seq.s32 s7, s2  }
0x1e: {  	s7 =	smul.u32 @!p0 $0xF7A, s2;
	p2 =	seq.s32 @!p0 s5, $0x0  }
0x1f: {  	s9 =	smul.u32 $0xF7A, s1;
	s8 =	simm.s32 @!p0 $0x1BF5;
	p2 =	por !p2, p0  }
0x20: {  	[sflag:s8] =	ssyncset.s32 @!p0 $0xFFFFF086;
	s6 =	sadd.s32 @!p0 s3, s7;
	s7 =	simm.s32 @!p0 $0x108  }
0x21: {  	s3 =	sadd.s32 s3, s9;
	s6 =	sadd.s32 @!p0 $0x88, s6;
	s7 =	simm.s32 @p2 $0x1082  }
0x22: {  	[simem:s7], [sflag:s8] =	dma.local @!p0 [hbm:s6], $0xF7A  }
0x23: {  	s9 =	sor.u32 $0xD0000000, s2;
	s6 =	simm.s32 $0x108;
	_ =	swait.ge @!p0 [sflag:s8], $0x0  }
0x24: {  	s3 =	sadd.s32 $0x88, s3;
	s6 =	simm.s32 @!p1 $0x1082;
	[sflag:s4] =	ssyncset.s32 $0xFFFFF086  }
0x25: {  	[simem:s6], [sflag:s4] =	dma.local [hbm:s3], $0xF7A  }
0x26: {  	[smem:$0x3F98] =	sst s1;
	(tag) =	ssettag s2;
	_ =	strace s9  }
0x27: {  	s1 =	sld [smem:$0x3FA8]  }
0x28: {  	s2 =	sld [smem:$0x3FA9]  }
0x29: {  	s4 =	sld [smem:$0x3FAB]  }
0x2a: {  	p0 =	seq.s32 s5, $0x0;
	s5 =	sld [smem:$0x3FAC]  }
0x2b: {  	s6 =	sld [smem:$0x3FAD]  }
0x2c: {  	s7 =	sld [smem:$0x3FAE]  }
0x2d: {  	s3 =	simm.s32 $0x108;
	s8 =	sld [smem:$0x3FAF]  }
0x2e: {  	s3 =	simm.s32 @!p0 $0x1082;
	s9 =	sld [smem:$0x3FB0]  }
0x2f: {  	lr =	sadd.s32 s0, s3;
	s0 =	sld [smem:$0x3FA7]  }
0x30: {  	s3 =	sld [smem:$0x3FAA]  }
0x31: {  	[smem:$0x3FB3] =	sst s10  }
0x32: {  	s10 =	sld [smem:$0x3FB1];
	_ =	sdelay $0x3  }
0x33: {  	p0 =	seq.s32 s10, $0x1;
	s10 =	sld [smem:$0x3FB3];
	_ =	sdelay $0x3  }
0x34: {  	[smem:$0x3FB3] =	sst s10  }
0x35: {  	s10 =	sld [smem:$0x3FB2];
	_ =	sdelay $0x3  }
0x36: {  	p1 =	seq.s32 s10, $0x1;
	s10 =	sld [smem:$0x3FB3];
	_ =	sdelay $0x3  }
0x37: {  	[smem:$0x3FB3] =	sst s10  }
0x38: {  	s10 =	sld [smem:$0x3FB4]  }
0x39: {  	_ = 	snop;
	(pc) =	sbr.ind lr, $3  }
0x3a: {  	_ = 	snop  }
0x3b: {  	_ = 	snop  }
0x3c: {  	p2 =	seq.s32 s10, $0x1;
	s10 =	sld [smem:$0x3FB3]  }
0x3d: {  	_ =	shalt  }
0x3e: {  	_ =	shalt  }
0x3f: {  	_ =	shalt  }
0x40: {  	_ =	shalt  }
0x41: {  	_ =	shalt  }
0x42: {  	_ =	shalt  }
0x43: {  	_ =	shalt  }
0x44: {  	_ =	shalt  }
0x45: {  	_ =	shalt  }
0x46: {  	_ =	shalt  }
0x47: {  	_ =	shalt  }
0x48: {  	_ =	shalt  }
0x49: {  	_ =	shalt  }
0x4a: {  	_ =	shalt  }
0x4b: {  	_ =	shalt  }
0x4c: {  	_ =	shalt  }
0x4d: {  	_ =	shalt  }
0x4e: {  	_ =	shalt  }
0x4f: {  	_ =	shalt  }
0x50: {  	_ =	shalt  }
0x51: {  	_ =	shalt  }
0x52: {  	_ =	shalt  }
0x53: {  	_ =	shalt  }
0x54: {  	_ =	shalt  }
0x55: {  	_ =	shalt  }
0x56: {  	_ =	shalt  }
0x57: {  	_ =	shalt  }
0x58: {  	_ =	shalt  }
0x59: {  	_ =	shalt  }
0x5a: {  	_ =	shalt  }
0x5b: {  	_ =	shalt  }
0x5c: {  	_ =	shalt  }
0x5d: {  	_ =	shalt  }
0x5e: {  	_ =	shalt  }
0x5f: {  	_ =	shalt  }
0x60: {  	_ =	shalt  }
0x61: {  	_ =	shalt  }
0x62: {  	_ =	shalt  }
0x63: {  	_ =	shalt  }
0x64: {  	_ =	shalt  }
0x65: {  	_ =	shalt  }
0x66: {  	_ =	shalt  }
0x67: {  	_ =	shalt  }
0x68: {  	_ =	shalt  }
0x69: {  	_ =	shalt  }
0x6a: {  	_ =	shalt  }
0x6b: {  	_ =	shalt  }
0x6c: {  	_ =	shalt  }
0x6d: {  	_ =	shalt  }
0x6e: {  	_ =	shalt  }
0x6f: {  	_ =	shalt  }
0x70: {  	_ =	shalt  }
0x71: {  	_ =	shalt  }
0x72: {  	_ =	shalt  }
0x73: {  	_ =	shalt  }
0x74: {  	_ =	shalt  }
0x75: {  	_ =	shalt  }
0x76: {  	_ =	shalt  }
0x77: {  	_ =	shalt  }
0x78: {  	_ =	shalt  }
0x79: {  	_ =	shalt  }
0x7a: {  	_ =	shalt  }
0x7b: {  	_ =	shalt  }
0x7c: {  	_ =	shalt  }
0x7d: {  	_ =	shalt  }
0x7e: {  	_ =	shalt  }
0x7f: {  	_ =	shalt  }
0x80: {  	_ =	shalt  }
0x81: {  	_ =	shalt  }
0x82: {  	_ =	shalt  }
0x83: {  	_ =	shalt  }
0x84: {  	_ =	shalt  }
0x85: {  	_ =	shalt  }
0x86: {  	_ =	shalt  }
0x87: {  	_ =	shalt  }
.Lfunc_end0:
.L_simem_size_0:
called_computation_lowered:
.L_overlay_start_0:
0x88: {  	s2 =	sld [smem:$0x3FD9]  }
0x89: {  	s3 =	sld [smem:$0x3FFE];
	_ =	sdelay $0x1  }
0x8a: {  	s1 =	srdreg.scid  }
0x8b: {  	s0 =	sand.u32 $0x1, s1  }
0x8c: {  	s16 =	sshll.u32 s0, $0xA;
	s2 =	sadd.s32 s3, s2  }
0x8d: {  	s2 =	sadd.s32 s2, s16  }
0x8e: {  	[smem:$0x3FBF] =	sst s2  }
0x8f: {  	_ = 	snop  }
0x90: {  	(tm) =	ssettm $0x1  }
0x91: {  	s17 =	sld [smem:$0x3FFB];
	_ =	sdelay $0x3  }
0x92: {  	_ =	strace s17  }
0x93: {  	s2 =	sld [smem:$0x3FFC];
	_ =	sdelay $0x3  }
0x94: {  	_ =	strace s2  }
0x95: {  	s2 =	sld [smem:$0x3FFD];
	_ =	sdelay $0x3  }
0x96: {  	_ =	strace s2  }
0x97: {  	_ =	strace $0x8FFFFFFF  }
0x98: {  	s18 =	sld [smem:$0x3FDB];
	_ =	sdelay $0x1  }
0x99: {  	s19 =	simm.s32 $_scs_section_size  }
0x9a: {  	s4 =	simm.s32 $_size__tile_overlayer_lowered;
	s5 =	simm.s32 $_tile_overlayer_lowered  }
0x9b: {  	s22 =	simm.s32 $0x1BFF;
	s21 =	sshll.u32 s5, $0x1;
	s2 =	sadd.s32 s19, s18  }
0x9c: {  	s6 =	simm.s32 $0x0;
	s20 =	sshll.u32 s4, $0x1;
	s4 =	sadd.s32 s21, s2  }
0x9d: {  	[timem:s6], [sflag:s22] =	dma.local [hbm:s4], s20  }
0x9e: {  	_ =	swait.ge [sflag:s22], s20  }
0x9f: {  	s3 =	ssub.s32 $0x0, s20;
	[sflag:s22] =	ssyncset.done $0x0  }
0xa0: {  	[sflag:s22] =	ssyncadd.s32 s3;
	_ =	sdelay $0x1  }
0xa1: {  	s23 =	simm.s32 $0x1B8B  }
0xa2: {  	_ =	swait.ge [sflag:s23], $0x1  }
0xa3: {  	[sflag:s23] =	ssyncset.done $0x0  }
0xa4: {  	s25 =	simm.s32 $0x1B8E;
	s24 =	sld [smem:$0x3FFE];
	[sflag:s23] =	ssyncadd.s32 $0xFFFFFFFF  }
0xa5: {  	s26 =	simm.s32 $execute0_lowered;
	[smem:$0x3FD2] =	sst s25  }
0xa6: {  	s4 =	sshll.u32 s26, $0x1;
	_ =	strace $0x80000046;
	[dreg:$0x1] =	wrdreg $0xFFFFFFFF  }
0xa7: {  	s28 =	simm.s32 $_size_execute0_lowered;
	s2 =	sadd.s32 s2, s4;
	[dreg:$0x0] =	wrdreg $0x0  }
0xa8: {  	s4 =	sshll.u32 s28, $0x1;
	[dreg:$0x2] =	wrdreg s2  }
0xa9: {  	[dreg:$0x3] =	wrdreg s4  }
0xaa: {  	[dreg:$0x4] =	wrdreg $0xC0  }
0xab: {  	_ =	task [dreg:s6], $0x5FFFF  }
0xac: {  	[dreg:$0x1] =	wrdreg $0xFFFFFFFF  }
0xad: {  	[dreg:$0x0] =	wrdreg $0x60  }
0xae: {  	[dreg:$0x2] =	wrdreg s24  }
0xaf: {  	[dreg:$0x3] =	wrdreg $0x0  }
0xb0: {  	[dreg:$0x4] =	wrdreg $0x9  }
0xb1: {  	_ =	task.clear_ibuf [dreg:s6], $0x5FFFF;
	_ =	strace $0x90000046  }
0xb2: {  	s29 =	simm.s32 $0x9;
	_ =	strace $0x80000048  }
0xb3: {  	_ =	swait.ge [sflag:s29], $0x1  }
0xb4: {  	[sflag:s29] =	ssyncadd.s32 $0xFFFFFFFF  }
0xb5: {  	_ =	strace $0x90000048  }
0xb6: {  	_ =	sfence  }
0xb7: {  	s30 =	sld [smem:$0x0];
	_ =	sdelay $0x2  }
0xb8: {  	s31 =	sshll.u32 s1, $0xD;
	s1 =	sshrl.u32 s1, $0x2  }
0xb9: {  	s3 =	sand.u32 $0x4000, s31;
	s1 =	sadd.s32 s1, s30  }
0xba: {  	s0 =	sor.u32 s3, s0;
	s1 =	sshll.u32 s1, $0x11  }
0xbb: {  	s0 =	sor.u32 s1, s0  }
0xbc: {  	s0 =	sadd.s32 $0x8F2B, s0  }
0xbd: {  	[sflag:s0] =	ssyncadd.remote.s32 $0x1  }
0xbe: {  	_ =	sfence.sel $0xFFFF  }
0xbf: {  	[dreg:$0x0] =	wrdreg $0xFFFFFFFF;
	(pc) =	sbr.abs _section_cstart, $3  }
0xc0: {  	[dreg:$0x1] =	wrdreg $0xFFFFFFFF  }
0xc1: {  	_ =	task.clear_ibuf [dreg:s6], $0x2FFFF;
	_ =	strace $0x9FFFFFFF  }
0xc2: {  	(tm) =	ssettm $0x7FFFFFFF  }
0xc3: {  	_ =	shalt  }
tec
execute0_lowered:
.L_overlay_start_1:
0x0: {  	(tag) =	ssettag $0x1  }
0x1: {  	s1 =	srdreg.scid  }
0x2: {  	s0 =	stileid.u32;
	s6 =	rddreg [dreg:$0x0]  }
0x3: {  	s2 =	rddreg [dreg:$0x1];
	s3 =	simm.s32 $0x0;
	s15 =	simm.s32 $0x40  }
0x4: {  	s16 =	simm.s32 $0x1B540;
	s17 =	simm.s32 $0x16600;
	s18 =	simm.s32 $0x1D940  }
0x5: {  	s19 =	simm.s32 $0x1;
	s20 =	simm.s32 $0x2;
	s21 =	simm.s32 $0x0  }
0x6: {  	s5 =	sand.u32 $0x1, s1;
	s31 =	sshll.u32 s0, $0x1;
	s1 =	rddreg [dreg:$0x2]  }
0x7: {  	[smem:$0x7FF] =	sst s3;
	s9 =	smul.u32 $0x165C0, s0;
	s13 =	sshll.u32 s0, $0x6  }
0x8: {  	s4 =	sor.u32 s5, s31;
	_ =	strace $0x80000047;
	s10 =	smul.u32 $0x165C00, s5  }
0x9: {  	s5 =	ssub.s32 $0x2, s5;
	s13 =	sor.u32 $0x1C03, s13;
	s7 =	smul.u32 $0x500, s4  }
0xa: {  	s8 =	smul.u32 $0x4F0, s4;
	s4 =	sadd.s32 $0xE00, s6;
	s11 =	sshrl.u32 s9, $0x3  }
0xb: {  	s12 =	sshrl.u32 s5, $0x1;
	s14 =	sadd.s32 s9, s2;
	s10 =	sadd.s32 s9, s10  }
0xc: {  	s11 =	sadd.s32 s11, s6;
	s12 =	ssub.s32 s5, s12;
	s14 =	sshrl.u32 s14, $0x3  }
0xd: {  	s7 =	sadd.s32 s7, s6;
	s8 =	sadd.s32 s8, s6;
	s10 =	sshrl.u32 s10, $0x3  }
0xe: {  	s9 =	smax.u32 s12, $0x1;
	s12 =	simm.s32 $0x18DC0;
	s10 =	sadd.s32 s10, s6  }
0xf: {  	s5 =	sadd.s32 $0x2DA00, s7;
	s6 =	sadd.s32 $0x37A00, s8;
	s7 =	sadd.s32 $0x41800, s11  }
0x10: {  	s11 =	simm.s32 $0x3;
	s8 =	sadd.s32 $0x6E400, s10;
	s10 =	simm.s32 $0x165C0  }
.LBB2_1:
0x11: {  	[tilespmem:s10], [sflag:$0x3] =	stream.linear.gather [hbm4b:s5+s3], $0x2800, $0x38;
	[tilespmem:$0x1FD40] =	vst v63  }
0x12: {  	_ =	swait.ge [sflag:s11], $0x2800  }
0x13: {  	[sflag:s11] =	ssyncset.done $0x0  }
0x14: {  	[sflag:s11] =	ssyncadd.s32 $0xFFFFD800  }
0x15: {  	[tilespmem:s12], [sflag:$0x3] =	stream.linear.gather [hbm4b:s6+s3], $0x2780, $0x38;
	[tilespmem:$0x1FD40] =	vst v63  }
0x16: {  	_ =	swait.ge [sflag:s11], $0x2780  }
0x17: {  	[sflag:s11] =	ssyncset.done $0x0  }
0x18: {  	[sflag:s11] =	ssyncadd.s32 $0xFFFFD880  }
0x19: {  	[spmem:s14], [sflag:s13] =	dma.local [hbm:s7], $0x2CB8  }
0x1a: {  	_ =	swait.ge [sflag:s11], $0x2CB8  }
0x1b: {  	[sflag:s11] =	ssyncset.done $0x0  }
0x1c: {  	[sflag:s11] =	ssyncadd.s32 $0xFFFFD348  }
0x1d: {  	[tilespmem:s16], [sflag:$0x1] =	stream.indirect.gather [hbm4b:s4+s15], $0x90, s10, s15, $0xb8;
	[tilespmem:$0x1FD40] =	vst v63  }
0x1e: {  	_ = 	snop  }
0x1f: {  	[tilespmem:s18], [sflag:$0x2] =	stream.indirect.gather [hbm4b:s4+s15], $0x90, s17, s15, $0xb8;
	[tilespmem:$0x1FD40] =	vst v63  }
0x20: {  	[bflag:$0x0] =	sbarrier.arrive $0xFFFF  }
0x21: {  	_ =	swait.ge [sflag:s19], $0x2400  }
0x22: {  	[sflag:s19] =	ssyncset.done $0x0  }
0x23: {  	s22 =	simm.s32 $0x18DC0;
	[sflag:s19] =	ssyncadd.s32 $0xFFFFDC00  }
0x24: {  	[spmem:s2] =	stream.indirect.scatter.add.f32 [tilespmem:s16], [sflag:$0x3], $0x90, s22, s15, $0xb8;
	[tilespmem:$0x1FD40] =	vst v63  }
0x25: {  	_ =	swait.ge [sflag:s11], $0x2400  }
0x26: {  	[sflag:s11] =	ssyncset.done $0x0  }
0x27: {  	s30 =	simm.s32 $0x16640;
	[sflag:s11] =	ssyncadd.s32 $0xFFFFDC00  }
0x28: {  	[tilespmem:s16], [sflag:$0x1] =	stream.indirect.gather [hbm4b:s4+s15], $0x90, s30, s15, $0xb8;
	[tilespmem:$0x1FD40] =	vst v63  }
0x29: {  	_ =	swait.ge [sflag:s20], $0x2400  }
0x2a: {  	[sflag:s20] =	ssyncset.done $0x0  }
0x2b: {  	s31 =	simm.s32 $0x18E00;
	[sflag:s20] =	ssyncadd.s32 $0xFFFFDC00  }
0x2c: {  	[spmem:s2] =	stream.indirect.scatter.add.f32 [tilespmem:s18], [sflag:$0x3], $0x90, s31, s15, $0xb8;
	[tilespmem:$0x1FD40] =	vst v63  }
0x2d: {  	_ =	swait.ge [sflag:s11], $0x2400  }
0x2e: {  	[sflag:s11] =	ssyncset.done $0x0  }
0x2f: {  	s23 =	simm.s32 $0x16680;
	s22 =	simm.s32 $0x200;
	[sflag:s11] =	ssyncadd.s32 $0xFFFFDC00  }
.LBB2_2:
0x30: {  	[tilespmem:s18], [sflag:$0x2] =	stream.indirect.gather [hbm4b:s4+s15], $0x90, s23, s15, $0xb8;
	[tilespmem:$0x1FD40] =	vst v63  }
0x31: {  	s23 =	smov.u32 s22  }
0x32: {  	p0 =	sne.s32 s22, $0x9C00;
	s22 =	sadd.s32 $0x200, s22;
	_ =	swait.ge [sflag:s19], $0x2400  }
0x33: {  	s23 =	sshra.s32 s23, $0x2;
	[sflag:s19] =	ssyncset.done $0x0  }
0x34: {  	s24 =	sadd.s32 $0x18DC0, s23;
	[sflag:s19] =	ssyncadd.s32 $0xFFFFDC00  }
0x35: {  	[spmem:s2] =	stream.indirect.scatter.add.f32 [tilespmem:s16], [sflag:$0x3], $0x90, s24, s15, $0xb8;
	[tilespmem:$0x1FD40] =	vst v63  }
0x36: {  	_ =	swait.ge [sflag:s11], $0x2400  }
0x37: {  	[sflag:s11] =	ssyncset.done $0x0  }
0x38: {  	s24 =	sadd.s32 $0x16640, s23;
	[sflag:s11] =	ssyncadd.s32 $0xFFFFDC00  }
0x39: {  	[tilespmem:s16], [sflag:$0x1] =	stream.indirect.gather [hbm4b:s4+s15], $0x90, s24, s15, $0xb8;
	[tilespmem:$0x1FD40] =	vst v63  }
0x3a: {  	_ =	swait.ge [sflag:s20], $0x2400  }
0x3b: {  	[sflag:s20] =	ssyncset.done $0x0  }
.Ltmp0:
0x3c: {  	s24 =	sadd.s32 $0x18E00, s23;
	[sflag:s20] =	ssyncadd.s32 $0xFFFFDC00;
	(pc) =	sbr.rel @p0 .LBB2_2-.Ltmp0, $4  }
0x3d: {  	[spmem:s2] =	stream.indirect.scatter.add.f32 [tilespmem:s18], [sflag:$0x3], $0x90, s24, s15, $0xb8;
	[tilespmem:$0x1FD40] =	vst v63  }
0x3e: {  	_ =	swait.ge [sflag:s11], $0x2400  }
0x3f: {  	[sflag:s11] =	ssyncset.done $0x0  }
0x40: {  	s23 =	sadd.s32 $0x16680, s23;
	[sflag:s11] =	ssyncadd.s32 $0xFFFFDC00  }
0x41: {  	[tilespmem:s18], [sflag:$0x2] =	stream.indirect.gather [hbm4b:s4+s15], $0x90, s23, s15, $0xb8;
	[tilespmem:$0x1FD40] =	vst v63  }
0x42: {  	_ =	swait.ge [sflag:s19], $0x2400  }
0x43: {  	[sflag:s19] =	ssyncset.done $0x0  }
0x44: {  	[sflag:s19] =	ssyncadd.s32 $0xFFFFDC00  }
0x45: {  	_ =	swait.ge [sflag:s20], $0x2400  }
0x46: {  	s21 =	sadd.s32 $0x1, s21;
	[sflag:s20] =	ssyncset.done $0x0  }
0x47: {  	p0 =	sne.s32 s21, s9;
	[sflag:s20] =	ssyncadd.s32 $0xFFFFDC00  }
.Ltmp1:
0x48: {  	[bflag:$0x0] =	sbarrier.arrive $0xFFFF;
	(pc) =	sbr.rel @p0 .LBB2_1-.Ltmp1, $4  }
0x49: {  	[hbm:s8], [sflag:s13] =	dma.local [spmem:s14], $0x2CB8  }
0x4a: {  	_ =	swait.ge [sflag:s11], $0x2CB8  }
0x4b: {  	[sflag:s11] =	ssyncset.done $0x0  }
0x4c: {  	[sflag:s11] =	ssyncadd.s32 $0xFFFFD348  }
0x4d: {  	_ =	sfence.sel $0x180000  }
0x4e: {  	[bflag:$0x0] =	sbarrier.arrive $0xFFFF  }
0x4f: {  	p0 =	sne.s32 s0, $0x0;
	_ =	strace $0x90000047  }
0x50: {  	s0 =	sadd.s32 @!p0 $0x100000, s1;
	[bflag:$0x2] =	sbarrier.arrive $0xFFFF  }
0x51: {  	[sflag:s0] =	ssyncadd.tile.s32 @!p0 $0x1;
	_ =	shalt  }
.Lfunc_end2:
_tile_overlayer_lowered:
.L_overlay_start_2:
0x52: {  	(tag) =	ssettag $0x2  }
0x53: {  	s0 =	rddreg [dreg:$0x0];
	s2 =	stileid.u32  }
0x54: {  	s1 =	rddreg [dreg:$0x1];
	p0 =	sne.s32 s2, $0x0  }
0x55: {  	s3 =	rddreg [dreg:$0x2];
	[bflag:$0x3] =	sbarrier.arrive $0xFFFF;
	s2 =	simm.s32 @!p0 $0x1C03  }
0x56: {  	[timem:s3], [sflag:s2] =	dma.local @!p0 [hbm:s0], s1  }
0x57: {  	s0 =	simm.s32 @!p0 $0x3  }
0x58: {  	_ =	swait.ge @!p0 [sflag:s0], s1  }
0x59: {  	s1 =	ssub.s32 @!p0 $0x0, s1;
	[sflag:s0] =	ssyncset.done @!p0 $0x0  }
0x5a: {  	[sflag:s0] =	ssyncadd.s32 @!p0 s1  }
0x5b: {  	[bflag:$0x3] =	sbarrier.arrive $0xFFFF  }
0x5c: {  	_ =	shalt  }

// kernel: kernel.9.cloned.1.call-start
scs
__scs_entry_jumppad:
0x0: {  	(pc) =	sbr.rel $0x88, $3  }
0x1: {  	(tag) =	ssettag $0x0;
	lr =	simm.s32 $0x1  }
0x2: {  	[smem:$0x3F98] =	sst lr;
	_ =	strace $0xD0000000  }
0x3: {  	_ = 	snop  }
0x4: {  	_ = 	snop  }
0x5: {  	_ = 	snop  }
0x6: {  	_ = 	snop  }
0x7: {  	_ = 	snop  }
__scs_overlays_trampoline_lowered:
0x8: {  	[smem:$0x3FA7] =	sst s0  }
0x9: {  	[smem:$0x3FA8] =	sst s1  }
0xa: {  	[smem:$0x3FA9] =	sst s2  }
0xb: {  	[smem:$0x3FAA] =	sst s3  }
0xc: {  	[smem:$0x3FAB] =	sst s4  }
0xd: {  	[smem:$0x3FAC] =	sst s5  }
0xe: {  	[smem:$0x3FAD] =	sst s6  }
0xf: {  	[smem:$0x3FAE] =	sst s7  }
0x10: {  	[smem:$0x3FAF] =	sst s8  }
0x11: {  	[smem:$0x3FB0] =	sst s9;
	s0 =	simm.s32 @!p0 $0x0  }
0x12: {  	s1 =	sld [smem:$0x3F96];
	s0 =	simm.s32 @p0 $0x1  }
0x13: {  	[smem:$0x3FB1] =	sst s0;
	s0 =	simm.s32 @!p1 $0x0  }
0x14: {  	s2 =	sld [smem:$0x3F95];
	s0 =	simm.s32 @p1 $0x1  }
0x15: {  	[smem:$0x3FB2] =	sst s0;
	s0 =	simm.s32 @!p2 $0x0  }
0x16: {  	s3 =	sld [smem:$0x3FDB];
	s0 =	simm.s32 @p2 $0x1  }
0x17: {  	s4 =	simm.s32 $0x1BF5;
	[smem:$0x3FB4] =	sst s0  }
0x18: {  	s0 =	sld [smem:$0x3F97];
	_ =	swait.ge [sflag:s4], $0x0  }
0x19: {  	s7 =	sld [smem:$0x3F98]  }
0x1a: {  	s8 =	sadd.s32 $0xFFFFE003, lr  }
0x1b: {  	s9 =	sadd.s32 $0xFFFFFEF7, lr;
	s5 =	simm.s32 $0xFFFFFFFF;
	p2 =	slt.u32 s8, $0xFFFFF086  }
0x1c: {  	p1 =	slt.u32 s9, $0xF7A;
	s5 =	simm.s32 @!p2 $0x0  }
0x1d: {  	s5 =	simm.s32 @p1 $0x1;
	p0 =	seq.s32 s7, s2  }
0x1e: {  	s7 =	smul.u32 @!p0 $0xF7A, s2;
	p2 =	seq.s32 @!p0 s5, $0x0  }
0x1f: {  	s9 =	smul.u32 $0xF7A, s1;
	s8 =	simm.s32 @!p0 $0x1BF5;
	p2 =	por !p2, p0  }
0x20: {  	[sflag:s8] =	ssyncset.s32 @!p0 $0xFFFFF086;
	s6 =	sadd.s32 @!p0 s3, s7;
	s7 =	simm.s32 @!p0 $0x108  }
0x21: {  	s3 =	sadd.s32 s3, s9;
	s6 =	sadd.s32 @!p0 $0x88, s6;
	s7 =	simm.s32 @p2 $0x1082  }
0x22: {  	[simem:s7], [sflag:s8] =	dma.local @!p0 [hbm:s6], $0xF7A  }
0x23: {  	s9 =	sor.u32 $0xD0000000, s2;
	s6 =	simm.s32 $0x108;
	_ =	swait.ge @!p0 [sflag:s8], $0x0  }
0x24: {  	s3 =	sadd.s32 $0x88, s3;
	s6 =	simm.s32 @!p1 $0x1082;
	[sflag:s4] =	ssyncset.s32 $0xFFFFF086  }
0x25: {  	[simem:s6], [sflag:s4] =	dma.local [hbm:s3], $0xF7A  }
0x26: {  	[smem:$0x3F98] =	sst s1;
	(tag) =	ssettag s2;
	_ =	strace s9  }
0x27: {  	s1 =	sld [smem:$0x3FA8]  }
0x28: {  	s2 =	sld [smem:$0x3FA9]  }
0x29: {  	s4 =	sld [smem:$0x3FAB]  }
0x2a: {  	p0 =	seq.s32 s5, $0x0;
	s5 =	sld [smem:$0x3FAC]  }
0x2b: {  	s6 =	sld [smem:$0x3FAD]  }
0x2c: {  	s7 =	sld [smem:$0x3FAE]  }
0x2d: {  	s3 =	simm.s32 $0x108;
	s8 =	sld [smem:$0x3FAF]  }
0x2e: {  	s3 =	simm.s32 @!p0 $0x1082;
	s9 =	sld [smem:$0x3FB0]  }
0x2f: {  	lr =	sadd.s32 s0, s3;
	s0 =	sld [smem:$0x3FA7]  }
0x30: {  	s3 =	sld [smem:$0x3FAA]  }
0x31: {  	[smem:$0x3FB3] =	sst s10  }
0x32: {  	s10 =	sld [smem:$0x3FB1];
	_ =	sdelay $0x3  }
0x33: {  	p0 =	seq.s32 s10, $0x1;
	s10 =	sld [smem:$0x3FB3];
	_ =	sdelay $0x3  }
0x34: {  	[smem:$0x3FB3] =	sst s10  }
0x35: {  	s10 =	sld [smem:$0x3FB2];
	_ =	sdelay $0x3  }
0x36: {  	p1 =	seq.s32 s10, $0x1;
	s10 =	sld [smem:$0x3FB3];
	_ =	sdelay $0x3  }
0x37: {  	[smem:$0x3FB3] =	sst s10  }
0x38: {  	s10 =	sld [smem:$0x3FB4]  }
0x39: {  	_ = 	snop;
	(pc) =	sbr.ind lr, $3  }
0x3a: {  	_ = 	snop  }
0x3b: {  	_ = 	snop  }
0x3c: {  	p2 =	seq.s32 s10, $0x1;
	s10 =	sld [smem:$0x3FB3]  }
0x3d: {  	_ =	shalt  }
0x3e: {  	_ =	shalt  }
0x3f: {  	_ =	shalt  }
0x40: {  	_ =	shalt  }
0x41: {  	_ =	shalt  }
0x42: {  	_ =	shalt  }
0x43: {  	_ =	shalt  }
0x44: {  	_ =	shalt  }
0x45: {  	_ =	shalt  }
0x46: {  	_ =	shalt  }
0x47: {  	_ =	shalt  }
0x48: {  	_ =	shalt  }
0x49: {  	_ =	shalt  }
0x4a: {  	_ =	shalt  }
0x4b: {  	_ =	shalt  }
0x4c: {  	_ =	shalt  }
0x4d: {  	_ =	shalt  }
0x4e: {  	_ =	shalt  }
0x4f: {  	_ =	shalt  }
0x50: {  	_ =	shalt  }
0x51: {  	_ =	shalt  }
0x52: {  	_ =	shalt  }
0x53: {  	_ =	shalt  }
0x54: {  	_ =	shalt  }
0x55: {  	_ =	shalt  }
0x56: {  	_ =	shalt  }
0x57: {  	_ =	shalt  }
0x58: {  	_ =	shalt  }
0x59: {  	_ =	shalt  }
0x5a: {  	_ =	shalt  }
0x5b: {  	_ =	shalt  }
0x5c: {  	_ =	shalt  }
0x5d: {  	_ =	shalt  }
0x5e: {  	_ =	shalt  }
0x5f: {  	_ =	shalt  }
0x60: {  	_ =	shalt  }
0x61: {  	_ =	shalt  }
0x62: {  	_ =	shalt  }
0x63: {  	_ =	shalt  }
0x64: {  	_ =	shalt  }
0x65: {  	_ =	shalt  }
0x66: {  	_ =	shalt  }
0x67: {  	_ =	shalt  }
0x68: {  	_ =	shalt  }
0x69: {  	_ =	shalt  }
0x6a: {  	_ =	shalt  }
0x6b: {  	_ =	shalt  }
0x6c: {  	_ =	shalt  }
0x6d: {  	_ =	shalt  }
0x6e: {  	_ =	shalt  }
0x6f: {  	_ =	shalt  }
0x70: {  	_ =	shalt  }
0x71: {  	_ =	shalt  }
0x72: {  	_ =	shalt  }
0x73: {  	_ =	shalt  }
0x74: {  	_ =	shalt  }
0x75: {  	_ =	shalt  }
0x76: {  	_ =	shalt  }
0x77: {  	_ =	shalt  }
0x78: {  	_ =	shalt  }
0x79: {  	_ =	shalt  }
0x7a: {  	_ =	shalt  }
0x7b: {  	_ =	shalt  }
0x7c: {  	_ =	shalt  }
0x7d: {  	_ =	shalt  }
0x7e: {  	_ =	shalt  }
0x7f: {  	_ =	shalt  }
0x80: {  	_ =	shalt  }
0x81: {  	_ =	shalt  }
0x82: {  	_ =	shalt  }
0x83: {  	_ =	shalt  }
0x84: {  	_ =	shalt  }
0x85: {  	_ =	shalt  }
0x86: {  	_ =	shalt  }
0x87: {  	_ =	shalt  }
.Lfunc_end0:
.L_simem_size_0:
called_computation.1_lowered:
.L_overlay_start_0:
0x88: {  	s2 =	sld [smem:$0x3FD9]  }
0x89: {  	s3 =	sld [smem:$0x3FFE];
	_ =	sdelay $0x1  }
0x8a: {  	s1 =	srdreg.scid  }
0x8b: {  	s0 =	sand.u32 $0x1, s1  }
0x8c: {  	s16 =	sshll.u32 s0, $0xA;
	s2 =	sadd.s32 s3, s2  }
0x8d: {  	s2 =	sadd.s32 s2, s16  }
0x8e: {  	[smem:$0x3FBF] =	sst s2  }
0x8f: {  	_ = 	snop  }
0x90: {  	(tm) =	ssettm $0x1  }
0x91: {  	s17 =	sld [smem:$0x3FFB];
	_ =	sdelay $0x3  }
0x92: {  	_ =	strace s17  }
0x93: {  	s2 =	sld [smem:$0x3FFC];
	_ =	sdelay $0x3  }
0x94: {  	_ =	strace s2  }
0x95: {  	s2 =	sld [smem:$0x3FFD];
	_ =	sdelay $0x3  }
0x96: {  	_ =	strace s2  }
0x97: {  	_ =	strace $0x8FFFFFFF  }
0x98: {  	s18 =	sld [smem:$0x3FDB];
	_ =	sdelay $0x1  }
0x99: {  	s19 =	simm.s32 $_scs_section_size  }
0x9a: {  	s4 =	simm.s32 $_size__tile_overlayer_lowered;
	s5 =	simm.s32 $_tile_overlayer_lowered  }
0x9b: {  	s22 =	simm.s32 $0x1BFF;
	s21 =	sshll.u32 s5, $0x1;
	s2 =	sadd.s32 s19, s18  }
0x9c: {  	s6 =	simm.s32 $0x0;
	s20 =	sshll.u32 s4, $0x1;
	s4 =	sadd.s32 s21, s2  }
0x9d: {  	[timem:s6], [sflag:s22] =	dma.local [hbm:s4], s20  }
0x9e: {  	_ =	swait.ge [sflag:s22], s20  }
0x9f: {  	s3 =	ssub.s32 $0x0, s20;
	[sflag:s22] =	ssyncset.done $0x0  }
0xa0: {  	[sflag:s22] =	ssyncadd.s32 s3;
	_ =	sdelay $0x1  }
0xa1: {  	s23 =	simm.s32 $0x1B8B  }
0xa2: {  	_ =	swait.ge [sflag:s23], $0x1  }
0xa3: {  	[sflag:s23] =	ssyncset.done $0x0  }
0xa4: {  	s25 =	simm.s32 $0x1B8E;
	s24 =	sld [smem:$0x3FFE];
	[sflag:s23] =	ssyncadd.s32 $0xFFFFFFFF  }
0xa5: {  	s26 =	simm.s32 $execute0_lowered;
	[smem:$0x3FD2] =	sst s25  }
0xa6: {  	s4 =	sshll.u32 s26, $0x1;
	_ =	strace $0x80000049;
	[dreg:$0x1] =	wrdreg $0xFFFFFFFF  }
0xa7: {  	s28 =	simm.s32 $_size_execute0_lowered;
	s2 =	sadd.s32 s2, s4;
	[dreg:$0x0] =	wrdreg $0x0  }
0xa8: {  	s4 =	sshll.u32 s28, $0x1;
	[dreg:$0x2] =	wrdreg s2  }
0xa9: {  	[dreg:$0x3] =	wrdreg s4  }
0xaa: {  	[dreg:$0x4] =	wrdreg $0xC0  }
0xab: {  	_ =	task [dreg:s6], $0x5FFFF  }
0xac: {  	[dreg:$0x1] =	wrdreg $0xFFFFFFFF  }
0xad: {  	[dreg:$0x0] =	wrdreg $0x60  }
0xae: {  	[dreg:$0x2] =	wrdreg s24  }
0xaf: {  	[dreg:$0x3] =	wrdreg $0x0  }
0xb0: {  	[dreg:$0x4] =	wrdreg $0x9  }
0xb1: {  	_ =	task.clear_ibuf [dreg:s6], $0x5FFFF;
	_ =	strace $0x90000049  }
0xb2: {  	s29 =	simm.s32 $0x9;
	_ =	strace $0x8000004B  }
0xb3: {  	_ =	swait.ge [sflag:s29], $0x1  }
0xb4: {  	[sflag:s29] =	ssyncadd.s32 $0xFFFFFFFF  }
0xb5: {  	_ =	strace $0x9000004B  }
0xb6: {  	_ =	sfence  }
0xb7: {  	s30 =	sld [smem:$0x0];
	_ =	sdelay $0x2  }
0xb8: {  	s31 =	sshll.u32 s1, $0xD;
	s1 =	sshrl.u32 s1, $0x2  }
0xb9: {  	s3 =	sand.u32 $0x4000, s31;
	s1 =	sadd.s32 s1, s30  }
0xba: {  	s0 =	sor.u32 s3, s0;
	s1 =	sshll.u32 s1, $0x11  }
0xbb: {  	s0 =	sor.u32 s1, s0  }
0xbc: {  	s0 =	sadd.s32 $0x8F2B, s0  }
0xbd: {  	[sflag:s0] =	ssyncadd.remote.s32 $0x1  }
0xbe: {  	_ =	sfence.sel $0xFFFF  }
0xbf: {  	[dreg:$0x0] =	wrdreg $0xFFFFFFFF;
	(pc) =	sbr.abs _section_cstart, $3  }
0xc0: {  	[dreg:$0x1] =	wrdreg $0xFFFFFFFF  }
0xc1: {  	_ =	task.clear_ibuf [dreg:s6], $0x2FFFF;
	_ =	strace $0x9FFFFFFF  }
0xc2: {  	(tm) =	ssettm $0x7FFFFFFF  }
0xc3: {  	_ =	shalt  }
tec
execute0_lowered:
.L_overlay_start_1:
0x0: {  	(tag) =	ssettag $0x1  }
0x1: {  	s1 =	srdreg.scid  }
0x2: {  	s0 =	stileid.u32;
	s6 =	rddreg [dreg:$0x0]  }
0x3: {  	s2 =	rddreg [dreg:$0x1];
	s3 =	simm.s32 $0x0;
	s15 =	simm.s32 $0x40  }
0x4: {  	s16 =	simm.s32 $0x1B540;
	s17 =	simm.s32 $0x16600;
	s18 =	simm.s32 $0x1D940  }
0x5: {  	s19 =	simm.s32 $0x1;
	s20 =	simm.s32 $0x2;
	s21 =	simm.s32 $0x0  }
0x6: {  	s5 =	sand.u32 $0x1, s1;
	s31 =	sshll.u32 s0, $0x1;
	s1 =	rddreg [dreg:$0x2]  }
0x7: {  	[smem:$0x7FF] =	sst s3;
	s9 =	smul.u32 $0x165C0, s0;
	s13 =	sshll.u32 s0, $0x6  }
0x8: {  	s4 =	sor.u32 s5, s31;
	_ =	strace $0x8000004A;
	s10 =	smul.u32 $0x165C00, s5  }
0x9: {  	s5 =	ssub.s32 $0x2, s5;
	s13 =	sor.u32 $0x1C03, s13;
	s7 =	smul.u32 $0x500, s4  }
0xa: {  	s8 =	smul.u32 $0x4F0, s4;
	s4 =	sadd.s32 $0xE00, s6;
	s11 =	sshrl.u32 s9, $0x3  }
0xb: {  	s12 =	sshrl.u32 s5, $0x1;
	s14 =	sadd.s32 s9, s2;
	s10 =	sadd.s32 s9, s10  }
0xc: {  	s11 =	sadd.s32 s11, s6;
	s12 =	ssub.s32 s5, s12;
	s14 =	sshrl.u32 s14, $0x3  }
0xd: {  	s7 =	sadd.s32 s7, s6;
	s8 =	sadd.s32 s8, s6;
	s10 =	sshrl.u32 s10, $0x3  }
0xe: {  	s9 =	smax.u32 s12, $0x1;
	s12 =	simm.s32 $0x18DC0;
	s10 =	sadd.s32 s10, s6  }
0xf: {  	s5 =	sadd.s32 $0x2DA00, s7;
	s6 =	sadd.s32 $0x37A00, s8;
	s7 =	sadd.s32 $0x41800, s11  }
0x10: {  	s11 =	simm.s32 $0x3;
	s8 =	sadd.s32 $0x6E400, s10;
	s10 =	simm.s32 $0x165C0  }
.LBB2_1:
0x11: {  	[tilespmem:s10], [sflag:$0x3] =	stream.linear.gather [hbm4b:s5+s3], $0x2800, $0x38;
	[tilespmem:$0x1FD40] =	vst v63  }
0x12: {  	_ =	swait.ge [sflag:s11], $0x2800  }
0x13: {  	[sflag:s11] =	ssyncset.done $0x0  }
0x14: {  	[sflag:s11] =	ssyncadd.s32 $0xFFFFD800  }
0x15: {  	[tilespmem:s12], [sflag:$0x3] =	stream.linear.gather [hbm4b:s6+s3], $0x2780, $0x38;
	[tilespmem:$0x1FD40] =	vst v63  }
0x16: {  	_ =	swait.ge [sflag:s11], $0x2780  }
0x17: {  	[sflag:s11] =	ssyncset.done $0x0  }
0x18: {  	[sflag:s11] =	ssyncadd.s32 $0xFFFFD880  }
0x19: {  	[spmem:s14], [sflag:s13] =	dma.local [hbm:s7], $0x2CB8  }
0x1a: {  	_ =	swait.ge [sflag:s11], $0x2CB8  }
0x1b: {  	[sflag:s11] =	ssyncset.done $0x0  }
0x1c: {  	[sflag:s11] =	ssyncadd.s32 $0xFFFFD348  }
0x1d: {  	[tilespmem:s16], [sflag:$0x1] =	stream.indirect.gather [hbm4b:s4+s15], $0x90, s10, s15, $0xb8;
	[tilespmem:$0x1FD40] =	vst v63  }
0x1e: {  	_ = 	snop  }
0x1f: {  	[tilespmem:s18], [sflag:$0x2] =	stream.indirect.gather [hbm4b:s4+s15], $0x90, s17, s15, $0xb8;
	[tilespmem:$0x1FD40] =	vst v63  }
0x20: {  	[bflag:$0x0] =	sbarrier.arrive $0xFFFF  }
0x21: {  	_ =	swait.ge [sflag:s19], $0x2400  }
0x22: {  	[sflag:s19] =	ssyncset.done $0x0  }
0x23: {  	s22 =	simm.s32 $0x18DC0;
	[sflag:s19] =	ssyncadd.s32 $0xFFFFDC00  }
0x24: {  	[spmem:s2] =	stream.indirect.scatter.add.f32 [tilespmem:s16], [sflag:$0x3], $0x90, s22, s15, $0xb8;
	[tilespmem:$0x1FD40] =	vst v63  }
0x25: {  	_ =	swait.ge [sflag:s11], $0x2400  }
0x26: {  	[sflag:s11] =	ssyncset.done $0x0  }
0x27: {  	s30 =	simm.s32 $0x16640;
	[sflag:s11] =	ssyncadd.s32 $0xFFFFDC00  }
0x28: {  	[tilespmem:s16], [sflag:$0x1] =	stream.indirect.gather [hbm4b:s4+s15], $0x90, s30, s15, $0xb8;
	[tilespmem:$0x1FD40] =	vst v63  }
0x29: {  	_ =	swait.ge [sflag:s20], $0x2400  }
0x2a: {  	[sflag:s20] =	ssyncset.done $0x0  }
0x2b: {  	s31 =	simm.s32 $0x18E00;
	[sflag:s20] =	ssyncadd.s32 $0xFFFFDC00  }
0x2c: {  	[spmem:s2] =	stream.indirect.scatter.add.f32 [tilespmem:s18], [sflag:$0x3], $0x90, s31, s15, $0xb8;
	[tilespmem:$0x1FD40] =	vst v63  }
0x2d: {  	_ =	swait.ge [sflag:s11], $0x2400  }
0x2e: {  	[sflag:s11] =	ssyncset.done $0x0  }
0x2f: {  	s23 =	simm.s32 $0x16680;
	s22 =	simm.s32 $0x200;
	[sflag:s11] =	ssyncadd.s32 $0xFFFFDC00  }
.LBB2_2:
0x30: {  	[tilespmem:s18], [sflag:$0x2] =	stream.indirect.gather [hbm4b:s4+s15], $0x90, s23, s15, $0xb8;
	[tilespmem:$0x1FD40] =	vst v63  }
0x31: {  	s23 =	smov.u32 s22  }
0x32: {  	p0 =	sne.s32 s22, $0x9C00;
	s22 =	sadd.s32 $0x200, s22;
	_ =	swait.ge [sflag:s19], $0x2400  }
0x33: {  	s23 =	sshra.s32 s23, $0x2;
	[sflag:s19] =	ssyncset.done $0x0  }
0x34: {  	s24 =	sadd.s32 $0x18DC0, s23;
	[sflag:s19] =	ssyncadd.s32 $0xFFFFDC00  }
0x35: {  	[spmem:s2] =	stream.indirect.scatter.add.f32 [tilespmem:s16], [sflag:$0x3], $0x90, s24, s15, $0xb8;
	[tilespmem:$0x1FD40] =	vst v63  }
0x36: {  	_ =	swait.ge [sflag:s11], $0x2400  }
0x37: {  	[sflag:s11] =	ssyncset.done $0x0  }
0x38: {  	s24 =	sadd.s32 $0x16640, s23;
	[sflag:s11] =	ssyncadd.s32 $0xFFFFDC00  }
0x39: {  	[tilespmem:s16], [sflag:$0x1] =	stream.indirect.gather [hbm4b:s4+s15], $0x90, s24, s15, $0xb8;
	[tilespmem:$0x1FD40] =	vst v63  }
0x3a: {  	_ =	swait.ge [sflag:s20], $0x2400  }
0x3b: {  	[sflag:s20] =	ssyncset.done $0x0  }
.Ltmp0:
0x3c: {  	s24 =	sadd.s32 $0x18E00, s23;
	[sflag:s20] =	ssyncadd.s32 $0xFFFFDC00;
	(pc) =	sbr.rel @p0 .LBB2_2-.Ltmp0, $4  }
0x3d: {  	[spmem:s2] =	stream.indirect.scatter.add.f32 [tilespmem:s18], [sflag:$0x3], $0x90, s24, s15, $0xb8;
	[tilespmem:$0x1FD40] =	vst v63  }
0x3e: {  	_ =	swait.ge [sflag:s11], $0x2400  }
0x3f: {  	[sflag:s11] =	ssyncset.done $0x0  }
0x40: {  	s23 =	sadd.s32 $0x16680, s23;
	[sflag:s11] =	ssyncadd.s32 $0xFFFFDC00  }
0x41: {  	[tilespmem:s18], [sflag:$0x2] =	stream.indirect.gather [hbm4b:s4+s15], $0x90, s23, s15, $0xb8;
	[tilespmem:$0x1FD40] =	vst v63  }
0x42: {  	_ =	swait.ge [sflag:s19], $0x2400  }
0x43: {  	[sflag:s19] =	ssyncset.done $0x0  }
0x44: {  	[sflag:s19] =	ssyncadd.s32 $0xFFFFDC00  }
0x45: {  	_ =	swait.ge [sflag:s20], $0x2400  }
0x46: {  	s21 =	sadd.s32 $0x1, s21;
	[sflag:s20] =	ssyncset.done $0x0  }
0x47: {  	p0 =	sne.s32 s21, s9;
	[sflag:s20] =	ssyncadd.s32 $0xFFFFDC00  }
.Ltmp1:
0x48: {  	[bflag:$0x0] =	sbarrier.arrive $0xFFFF;
	(pc) =	sbr.rel @p0 .LBB2_1-.Ltmp1, $4  }
0x49: {  	[hbm:s8], [sflag:s13] =	dma.local [spmem:s14], $0x2CB8  }
0x4a: {  	_ =	swait.ge [sflag:s11], $0x2CB8  }
0x4b: {  	[sflag:s11] =	ssyncset.done $0x0  }
0x4c: {  	[sflag:s11] =	ssyncadd.s32 $0xFFFFD348  }
0x4d: {  	_ =	sfence.sel $0x180000  }
0x4e: {  	[bflag:$0x0] =	sbarrier.arrive $0xFFFF  }
0x4f: {  	p0 =	sne.s32 s0, $0x0;
	_ =	strace $0x9000004A  }
0x50: {  	s0 =	sadd.s32 @!p0 $0x100000, s1;
	[bflag:$0x2] =	sbarrier.arrive $0xFFFF  }
0x51: {  	[sflag:s0] =	ssyncadd.tile.s32 @!p0 $0x1;
	_ =	shalt  }
.Lfunc_end2:
_tile_overlayer_lowered:
.L_overlay_start_2:
0x52: {  	(tag) =	ssettag $0x2  }
0x53: {  	s0 =	rddreg [dreg:$0x0];
	s2 =	stileid.u32  }
0x54: {  	s1 =	rddreg [dreg:$0x1];
	p0 =	sne.s32 s2, $0x0  }
0x55: {  	s3 =	rddreg [dreg:$0x2];
	[bflag:$0x3] =	sbarrier.arrive $0xFFFF;
	s2 =	simm.s32 @!p0 $0x1C03  }
0x56: {  	[timem:s3], [sflag:s2] =	dma.local @!p0 [hbm:s0], s1  }
0x57: {  	s0 =	simm.s32 @!p0 $0x3  }
0x58: {  	_ =	swait.ge @!p0 [sflag:s0], s1  }
0x59: {  	s1 =	ssub.s32 @!p0 $0x0, s1;
	[sflag:s0] =	ssyncset.done @!p0 $0x0  }
0x5a: {  	[sflag:s0] =	ssyncadd.s32 @!p0 s1  }
0x5b: {  	[bflag:$0x3] =	sbarrier.arrive $0xFFFF  }
0x5c: {  	_ =	shalt  }

</sc_bundles>
